<compile_context>
chip_gen: v7x
topology: tpu7x:2x2x1
jax: 0.10.2.dev20260603
libtpu: 0.0.44.dev20260713+nightly
codegen_flags: <defaults>
</compile_context>

<pallas_src>
import functools

import jax
import jax.numpy as jnp
from jax import lax
from jax.experimental import pallas as pl
from jax.experimental.pallas import tpu as pltpu
from jax.experimental.pallas import tpu_sc as plsc

N = 10000
D = 128
E = 320000
NC = 2
NS = 16
NW = NC * NS
EPW = E // NW
WIN = 40
NWIN = EPW // WIN
AWIN = 128
APW = 10240
ANW = APW // AWIN
NPADW = APW - EPW
PADK = NW * NPADW // 16
RPW = N // NS
NPAD = 10240
DCH = NPAD // NS

_mesh = plsc.VectorSubcoreMesh(core_axis_name="c", subcore_axis_name="s")


def _deg_body(dst_hbm, ones_hbm, zeros_hbm, out_hbm, idx_v, ones_v, deg_sh, sem):
    c = lax.axis_index("c")
    s = lax.axis_index("s")
    wid = s * NC + c
    pltpu.sync_copy(zeros_hbm.at[pl.ds(s * DCH, DCH)],
                    deg_sh.at[pl.ds(s * DCH, DCH)])
    pltpu.sync_copy(dst_hbm.at[wid], idx_v)
    pltpu.sync_copy(ones_hbm, ones_v)
    plsc.subcore_barrier()

    def fire(j, carry):
        pltpu.async_copy(ones_v, deg_sh.at[idx_v.at[j]], sem, add=True)
        return carry

    def drain(j, carry):
        pltpu.make_async_copy(ones_v, deg_sh.at[idx_v.at[j]], sem).wait()
        return carry

    lax.fori_loop(0, ANW, fire, 0)
    lax.fori_loop(0, ANW, drain, 0)
    plsc.subcore_barrier()
    pltpu.sync_copy(deg_sh.at[pl.ds(s * DCH, DCH)],
                    out_hbm.at[c].at[pl.ds(s * DCH, DCH)])


_deg_kernel = functools.partial(
    pl.kernel,
    out_type=jax.ShapeDtypeStruct((NC, NPAD), jnp.float32),
    mesh=_mesh,
    scratch_types=[
        pltpu.VMEM((ANW, AWIN), jnp.int32),
        pltpu.VMEM((AWIN,), jnp.float32),
        pltpu.VMEM_SHARED((NPAD,), jnp.float32),
        pltpu.SemaphoreType.DMA,
    ],
)(_deg_body)


def _agg_body(y_hbm, src_hbm, dst_hbm, zeros_hbm, out_hbm,
              srcv, dstg, rows_a, rows_b, acc_sh,
              sem_ga, sem_gb, sem_sa, sem_sb):
    c = lax.axis_index("c")
    s = lax.axis_index("s")
    wid = s * NC + c
    pltpu.sync_copy(zeros_hbm.at[s], acc_sh.at[pl.ds(s * RPW, RPW)])
    pltpu.sync_copy(src_hbm.at[wid], srcv)
    plsc.subcore_barrier()

    rows = (rows_a, rows_b)
    sg = (sem_ga, sem_gb)
    ss = (sem_sa, sem_sb)
    NB = ANW // 8

    def g_start(w, k):
        pltpu.async_copy(y_hbm.at[srcv.at[pl.ds(w * AWIN, AWIN)]],
                         rows[k % 2], sg[k % 2])

    def g_wait(w, k):
        pltpu.make_async_copy(y_hbm.at[srcv.at[pl.ds(w * AWIN, AWIN)]],
                              rows[k % 2], sg[k % 2]).wait()

    def s_start(k):
        pltpu.async_copy(rows[k % 2], acc_sh.at[dstg.at[k % 8]],
                         ss[k % 2], add=True)

    def s_wait(k):
        pltpu.make_async_copy(rows[k % 2], acc_sh.at[dstg.at[k % 8]],
                              ss[k % 2]).wait()

    def i_load(j):
        off = pl.multiple_of(j * 8, 8)
        pltpu.sync_copy(dst_hbm.at[wid].at[pl.ds(off, 8)], dstg)

    g_start(0, 0)

    def step(j, carry):
        w0 = 8 * j

        @pl.when(j > 0)
        def _():
            s_wait(7)

        i_load(j)
        for k in range(8):
            w = w0 + k
            g_wait(w, k)
            if k > 0:
                s_wait(k - 1)
            if k == 7:
                @pl.when(j < NB - 1)
                def _():
                    g_start(w + 1, k + 1)
            else:
                g_start(w + 1, k + 1)
            s_start(k)
        return carry

    lax.fori_loop(0, NB, step, 0)
    s_wait(7)
    plsc.subcore_barrier()
    pltpu.sync_copy(acc_sh.at[pl.ds(s * RPW, RPW)], out_hbm.at[c].at[s])


_agg_kernel = functools.partial(
    pl.kernel,
    out_type=jax.ShapeDtypeStruct((NC, NS, RPW, D), jnp.float32),
    mesh=_mesh,
    scratch_types=[
        pltpu.VMEM((APW,), jnp.int32),
        pltpu.VMEM((8, AWIN), jnp.int32),
        pltpu.VMEM((AWIN, D), jnp.float32),
        pltpu.VMEM((AWIN, D), jnp.float32),
        pltpu.VMEM_SHARED((N, D), jnp.float32),
        pltpu.SemaphoreType.DMA,
        pltpu.SemaphoreType.DMA,
        pltpu.SemaphoreType.DMA,
        pltpu.SemaphoreType.DMA,
    ],
)(_agg_body)


def _scale_body(degp_ref, x_ref, w_ref, y_ref):
    row = lax.broadcasted_iota(jnp.int32, (N, 1), 0)
    padc = jnp.where(row < 16, float(PADK), 0.0)
    deg = degp_ref[0] + degp_ref[1] + 1.0 - padc
    dinv = lax.rsqrt(deg)
    xw = jnp.dot(x_ref[...], w_ref[...], preferred_element_type=jnp.float32)
    y_ref[...] = xw * dinv


def _scale(deg_partials, x, weight):
    return pl.pallas_call(
        _scale_body,
        out_shape=jax.ShapeDtypeStruct((N, D), jnp.float32),
    )(deg_partials, x, weight)


def _out_body(p_ref, y_ref, degp_ref, b_ref, o_ref):
    row = lax.broadcasted_iota(jnp.int32, (N, 1), 0)
    padc = jnp.where(row < 16, float(PADK), 0.0)
    deg = degp_ref[0] + degp_ref[1] + 1.0 - padc
    dinv = lax.rsqrt(deg)
    yfac = jnp.where(row < 16, 1.0 - PADK, 1.0)
    fr = (p_ref[0] + p_ref[1] + yfac * y_ref[...]) * dinv
    o_ref[...] = fr + b_ref[...]


def _combine(partials, y, deg_partials, bias):
    return pl.pallas_call(
        _out_body,
        out_shape=jax.ShapeDtypeStruct((N, D), jnp.float32),
    )(partials, y, deg_partials, bias.reshape(1, D))


def kernel(x, edge_index, W1, b1, W2, b2, weight, bias):
    pad = jnp.tile(jnp.arange(16, dtype=edge_index.dtype), (NW, NPADW // 16))
    srcp = jnp.concatenate([edge_index[0].reshape(NW, EPW), pad], axis=1)
    dstp = jnp.concatenate([edge_index[1].reshape(NW, EPW), pad], axis=1)
    dstp = dstp.reshape(NW, ANW, AWIN)
    ones_w = jnp.ones((AWIN,), jnp.float32)
    zeros_deg = jnp.zeros((NPAD,), jnp.float32)
    zeros_acc = jnp.zeros((NS, RPW, D), jnp.float32)

    deg_partials = _deg_kernel(dstp, ones_w, zeros_deg)[:, :N, None]
    y = _scale(deg_partials, x, weight)
    partials = _agg_kernel(y, srcp, dstp, zeros_acc).reshape(NC, N, D)
    return _combine(partials, y, deg_partials, bias)

# --- scband reference (transcript-rebuilt; emitter-appended) ---
"""Pipeline reference for scband-sample-model-57415122813019 (READ-ONLY COPY).

The authoritative reference and input builder live on the scoring server;
editing this copy changes nothing except your own understanding.
"""

import jax, jax.numpy as jnp
import numpy as np

N = 10000
E = 320000
D_IN = 128
D_OUT = 128
H1 = 64
H2 = 16


def _glorot(key, shape):
    stdv = np.sqrt(6.0 / (shape[-2] + shape[-1]))
    return jax.random.uniform(key, shape, jnp.float32, -stdv, stdv)


def setup_inputs(seed: int = 0) -> dict:
    key = jax.random.key(seed)
    ks = jax.random.split(key, 8)
    x = jax.random.normal(ks[0], (N, D_IN), jnp.float32)
    edge_index = jax.random.randint(ks[1], (2, E), 0, N, dtype=jnp.int32)
    W1 = _glorot(ks[2], (D_IN, H1))
    b1 = jnp.zeros((H1,), jnp.float32)
    W2 = _glorot(ks[3], (H1, H2))
    b2 = jnp.zeros((H2,), jnp.float32)
    weight = _glorot(ks[4], (D_IN, D_OUT))
    bias = jnp.zeros((D_OUT,), jnp.float32)
    return {"x": x, "edge_index": edge_index, "W1": W1, "b1": b1, "W2": W2, "b2": b2, "weight": weight, "bias": bias}


def reference(x, edge_index, W1, b1, W2, b2, weight, bias):
    n = x.shape[0]
    loop = jnp.arange(n, dtype=edge_index.dtype)
    src = jnp.concatenate([edge_index[0], loop])
    dst = jnp.concatenate([edge_index[1], loop])
    # in-degree (after self-loops), symmetric normalization as in gcn_norm / adj_list math
    deg = jnp.zeros((n,), jnp.float32).at[dst].add(1.0)
    dinv = jnp.where(deg > 0, 1.0 / jnp.sqrt(deg), 0.0)
    norm = dinv[src] * dinv[dst]

    def agg(h):
        msgs = jnp.take(h, src, axis=0) * norm[:, None]
        return jnp.zeros((n, h.shape[1]), h.dtype).at[dst].add(msgs)

    # conv1 / conv2 (computed in forward; output unused in eval mode)
    half_embedding = agg(x @ W1) + b1
    node_embedding = agg(half_embedding @ W2) + b2
    _ = node_embedding
    # eval-path feature aggregation: sum_j x[j] / (sqrt(deg_i)*sqrt(deg_j))
    feature_result = agg(x)
    out = feature_result @ weight + bias
    return out

if __name__ == "__main__":
    import jax
    _d = setup_inputs()
    print(jax.jit(kernel)(*tuple(_d.values())))

</pallas_src>

<mosaic_0001>
#map = affine_map<(d0, d1) -> (0, 0)>
#map1 = affine_map<(d0, d1) -> (0, 0, 0)>
#map2 = affine_map<(d0, d1) -> (0, 0, 0, 0)>
module attributes {stable_mosaic.version = 14 : i64} {
  func.func @_agg_body(%arg0: i32, %arg1: i32, %arg2: memref<10000x128xf32, #tpu.memory_space<hbm>>, %arg3: memref<32x10240xi32, #tpu.memory_space<hbm>>, %arg4: memref<32x80x128xi32, #tpu.memory_space<hbm>>, %arg5: memref<16x625x128xf32, #tpu.memory_space<hbm>>, %arg6: memref<2x16x625x128xf32, #tpu.memory_space<hbm>>, %arg7: memref<10240xi32, #tpu.memory_space<vmem>>, %arg8: memref<8x128xi32, #tpu.memory_space<vmem>>, %arg9: memref<128x128xf32, #tpu.memory_space<vmem>>, %arg10: memref<128x128xf32, #tpu.memory_space<vmem>>, %arg11: memref<10000x128xf32, #tpu.memory_space<vmem_shared>>, %arg12: memref<!tpu.dma_semaphore, #tpu.memory_space<semaphore_mem>>, %arg13: memref<!tpu.dma_semaphore, #tpu.memory_space<semaphore_mem>>, %arg14: memref<!tpu.dma_semaphore, #tpu.memory_space<semaphore_mem>>, %arg15: memref<!tpu.dma_semaphore, #tpu.memory_space<semaphore_mem>>) attributes {dimension_semantics = [#tpu.dimension_semantics<core_parallel>, #tpu.dimension_semantics<subcore_parallel>], iteration_bounds = array<i64: 2, 16>, scalar_prefetch = 0 : i64, scratch_operands = 9 : i64, tpu.core_type = #tpu.core_type<sc_vector_subcore>, window_params = [{transform_indices = #map}, {transform_indices = #map}, {transform_indices = #map1}, {transform_indices = #map1}, {transform_indices = #map2}]} {
    %mul3A = arith.constant 2 : i32
    %mul3A_0 = arith.muli %arg1, %mul3A : i32
    %add3A = arith.addi %mul3A_0, %arg0 : i32
    %mul3A_1 = arith.constant 625 : i32
    %mul3A_2 = arith.muli %arg1, %mul3A_1 : i32
    "tpu.region"() ({
      %run_scoped3A = tpu.sem_alloc : memref<!tpu.dma_semaphore, #tpu.memory_space<semaphore_mem>>
      %dma_start3A_21 = arith.constant 0 : i32
      %dma_start3A_22 = tpu.memref_slice %arg11[%mul3A_2, %dma_start3A_21] : memref<10000x128xf32, #tpu.memory_space<vmem_shared>> -> memref<625x128xf32, #tpu.memory_space<vmem_shared>>
      %dma_start3A_23 = arith.constant 0 : i32
      %dma_start3A_24 = arith.constant 0 : i32
      %dma_start3A_25 = tpu.memref_slice %arg5[%arg1, %dma_start3A_23, %dma_start3A_24] : memref<16x625x128xf32, #tpu.memory_space<hbm>> -> memref<1x625x128xf32, #tpu.memory_space<hbm>>
      %dma_start3A_26 = tpu.memref_squeeze %dma_start3A_25 : memref<1x625x128xf32, #tpu.memory_space<hbm>> -> memref<625x128xf32, #tpu.memory_space<hbm>>
      tpu.enqueue_dma source(%dma_start3A_26 : memref<625x128xf32, #tpu.memory_space<hbm>>) target(%dma_start3A_22 : memref<625x128xf32, #tpu.memory_space<vmem_shared>>) target_semaphore(%run_scoped3A : memref<!tpu.dma_semaphore, #tpu.memory_space<semaphore_mem>>)
      %dma_wait3A_27 = arith.constant 0 : i32
      %dma_wait3A_28 = tpu.memref_slice %arg11[%mul3A_2, %dma_wait3A_27] : memref<10000x128xf32, #tpu.memory_space<vmem_shared>> -> memref<625x128xf32, #tpu.memory_space<vmem_shared>>
      %dma_wait3A_29 = arith.constant 0 : i32
      %dma_wait3A_30 = arith.constant 0 : i32
      %dma_wait3A_31 = tpu.memref_slice %arg5[%arg1, %dma_wait3A_29, %dma_wait3A_30] : memref<16x625x128xf32, #tpu.memory_space<hbm>> -> memref<1x625x128xf32, #tpu.memory_space<hbm>>
      %dma_wait3A_32 = tpu.memref_squeeze %dma_wait3A_31 : memref<1x625x128xf32, #tpu.memory_space<hbm>> -> memref<625x128xf32, #tpu.memory_space<hbm>>
      tpu.wait_dma2 semaphore(%run_scoped3A : memref<!tpu.dma_semaphore, #tpu.memory_space<semaphore_mem>>) src(%dma_wait3A_32 : memref<625x128xf32, #tpu.memory_space<hbm>>) dst(%dma_wait3A_28 : memref<625x128xf32, #tpu.memory_space<vmem_shared>>)
      tpu.yield
    }) : () -> ()
    "tpu.region"() ({
      %run_scoped3A = tpu.sem_alloc : memref<!tpu.dma_semaphore, #tpu.memory_space<semaphore_mem>>
      %dma_start3A_21 = arith.constant 0 : i32
      %dma_start3A_22 = tpu.memref_slice %arg3[%add3A, %dma_start3A_21] : memref<32x10240xi32, #tpu.memory_space<hbm>> -> memref<1x10240xi32, #tpu.memory_space<hbm>>
      %dma_start3A_23 = tpu.memref_squeeze %dma_start3A_22 : memref<1x10240xi32, #tpu.memory_space<hbm>> -> memref<10240xi32, #tpu.memory_space<hbm>>
      %dma_start3A_24 = arith.constant 0 : i32
      %dma_start3A_25 = tpu.memref_slice %arg3[%add3A, %dma_start3A_24] : memref<32x10240xi32, #tpu.memory_space<hbm>> -> memref<1x10240xi32, #tpu.memory_space<hbm>>
      %dma_start3A_26 = tpu.memref_squeeze %dma_start3A_25 : memref<1x10240xi32, #tpu.memory_space<hbm>> -> memref<10240xi32, #tpu.memory_space<hbm>>
      tpu.enqueue_dma source(%dma_start3A_26 : memref<10240xi32, #tpu.memory_space<hbm>>) target(%arg7 : memref<10240xi32, #tpu.memory_space<vmem>>) target_semaphore(%run_scoped3A : memref<!tpu.dma_semaphore, #tpu.memory_space<semaphore_mem>>)
      %dma_wait3A_27 = arith.constant 0 : i32
      %dma_wait3A_28 = tpu.memref_slice %arg3[%add3A, %dma_wait3A_27] : memref<32x10240xi32, #tpu.memory_space<hbm>> -> memref<1x10240xi32, #tpu.memory_space<hbm>>
      %dma_wait3A_29 = tpu.memref_squeeze %dma_wait3A_28 : memref<1x10240xi32, #tpu.memory_space<hbm>> -> memref<10240xi32, #tpu.memory_space<hbm>>
      %dma_wait3A_30 = arith.constant 0 : i32
      %dma_wait3A_31 = tpu.memref_slice %arg3[%add3A, %dma_wait3A_30] : memref<32x10240xi32, #tpu.memory_space<hbm>> -> memref<1x10240xi32, #tpu.memory_space<hbm>>
      %dma_wait3A_32 = tpu.memref_squeeze %dma_wait3A_31 : memref<1x10240xi32, #tpu.memory_space<hbm>> -> memref<10240xi32, #tpu.memory_space<hbm>>
      tpu.wait_dma2 semaphore(%run_scoped3A : memref<!tpu.dma_semaphore, #tpu.memory_space<semaphore_mem>>) src(%dma_wait3A_32 : memref<10240xi32, #tpu.memory_space<hbm>>) dst(%arg7 : memref<10240xi32, #tpu.memory_space<vmem>>)
      tpu.yield
    }) : () -> ()
    %barrier3A = arith.constant 0 : index
    tpu.barrier barrier_id(%barrier3A)
    %dma_start3A = arith.constant 0 : i32
    %dma_start3A_3 = tpu.memref_slice %arg7[%dma_start3A] : memref<10240xi32, #tpu.memory_space<vmem>> -> memref<128xi32, #tpu.memory_space<vmem>>
    %dma_start3A_4 = arith.constant 0 : i32
    %dma_start3A_5 = arith.constant 0 : i32
    %dma_start3A_6 = tpu.memref_slice %arg2[%dma_start3A_4, %dma_start3A_5] : memref<10000x128xf32, #tpu.memory_space<hbm>> -> memref<10000x128xf32, #tpu.memory_space<hbm>>
    tpu.enqueue_indirect_dma source(%dma_start3A_6 : memref<10000x128xf32, #tpu.memory_space<hbm>>) target(%arg9 : memref<128x128xf32, #tpu.memory_space<vmem>>) offsets(%dma_start3A_3 : memref<128xi32, #tpu.memory_space<vmem>>) semaphore(%arg12 : memref<!tpu.dma_semaphore, #tpu.memory_space<semaphore_mem>>)
    %scan3A = arith.constant 0 : i32
    %scan3A_7 = arith.constant 0 : i32
    %scan3A_8 = arith.constant 10 : i32
    %scan3A_9 = arith.addi %scan3A_7, %scan3A_8 : i32
    %scan3A_10 = arith.constant 1 : i32
    scf.for %scan3A_21 = %scan3A_7 to %scan3A_9 step %scan3A_10  : i32 {
      %mul3A_22 = arith.constant 8 : i32
      %mul3A_23 = arith.muli %mul3A_22, %scan3A_21 : i32
      %gt3A = arith.constant 0 : i32
      %gt3A_24 = arith.cmpi sgt, %scan3A_21, %gt3A : i32
      %convert_element_type3A = arith.extui %gt3A_24 : i1 to i32
      %cond3A = arith.constant 0 : i32
      %cond3A_25 = arith.cmpi ne, %convert_element_type3A, %cond3A : i32
      scf.if %cond3A_25 {
        %dma_wait3A_257 = arith.constant 7 : i32
        %dma_wait3A_258 = arith.constant 0 : i32
        %dma_wait3A_259 = tpu.memref_slice %arg8[%dma_wait3A_257, %dma_wait3A_258] : memref<8x128xi32, #tpu.memory_space<vmem>> -> memref<1x128xi32, #tpu.memory_space<vmem>>
        %dma_wait3A_260 = tpu.memref_squeeze %dma_wait3A_259 : memref<1x128xi32, #tpu.memory_space<vmem>> -> memref<128xi32, #tpu.memory_space<vmem>>
        %dma_wait3A_261 = arith.constant 0 : i32
        %dma_wait3A_262 = arith.constant 0 : i32
        %dma_wait3A_263 = tpu.memref_slice %arg11[%dma_wait3A_261, %dma_wait3A_262] : memref<10000x128xf32, #tpu.memory_space<vmem_shared>> -> memref<10000x128xf32, #tpu.memory_space<vmem_shared>>
        tpu.wait_indirect_dma semaphore(%arg15 : memref<!tpu.dma_semaphore, #tpu.memory_space<semaphore_mem>>) src(%arg10 : memref<128x128xf32, #tpu.memory_space<vmem>>) dst(%dma_wait3A_263 : memref<10000x128xf32, #tpu.memory_space<vmem_shared>>)
      } else {
      }
      %mul3A_26 = arith.constant 8 : i32
      %mul3A_27 = arith.muli %scan3A_21, %mul3A_26 : i32
      %multiple_of3A = tpu.assume_multiple %mul3A_27, 8 : i32
      "tpu.region"() ({
        %run_scoped3A = tpu.sem_alloc : memref<!tpu.dma_semaphore, #tpu.memory_space<semaphore_mem>>
        %dma_start3A_257 = arith.constant 0 : i32
        %dma_start3A_258 = arith.constant 0 : i32
        %dma_start3A_259 = tpu.memref_slice %arg4[%add3A, %dma_start3A_257, %dma_start3A_258] : memref<32x80x128xi32, #tpu.memory_space<hbm>> -> memref<1x80x128xi32, #tpu.memory_space<hbm>>
        %dma_start3A_260 = tpu.memref_squeeze %dma_start3A_259 : memref<1x80x128xi32, #tpu.memory_space<hbm>> -> memref<80x128xi32, #tpu.memory_space<hbm>>
        %dma_start3A_261 = arith.constant 0 : i32
        %dma_start3A_262 = tpu.memref_slice %dma_start3A_260[%multiple_of3A, %dma_start3A_261] : memref<80x128xi32, #tpu.memory_space<hbm>> -> memref<8x128xi32, #tpu.memory_space<hbm>>
        %dma_start3A_263 = arith.constant 0 : i32
        %dma_start3A_264 = arith.constant 0 : i32
        %dma_start3A_265 = tpu.memref_slice %arg4[%add3A, %dma_start3A_263, %dma_start3A_264] : memref<32x80x128xi32, #tpu.memory_space<hbm>> -> memref<1x80x128xi32, #tpu.memory_space<hbm>>
        %dma_start3A_266 = tpu.memref_squeeze %dma_start3A_265 : memref<1x80x128xi32, #tpu.memory_space<hbm>> -> memref<80x128xi32, #tpu.memory_space<hbm>>
        %dma_start3A_267 = arith.constant 0 : i32
        %dma_start3A_268 = tpu.memref_slice %dma_start3A_266[%multiple_of3A, %dma_start3A_267] : memref<80x128xi32, #tpu.memory_space<hbm>> -> memref<8x128xi32, #tpu.memory_space<hbm>>
        tpu.enqueue_dma source(%dma_start3A_268 : memref<8x128xi32, #tpu.memory_space<hbm>>) target(%arg8 : memref<8x128xi32, #tpu.memory_space<vmem>>) target_semaphore(%run_scoped3A : memref<!tpu.dma_semaphore, #tpu.memory_space<semaphore_mem>>)
        %dma_wait3A_269 = arith.constant 0 : i32
        %dma_wait3A_270 = arith.constant 0 : i32
        %dma_wait3A_271 = tpu.memref_slice %arg4[%add3A, %dma_wait3A_269, %dma_wait3A_270] : memref<32x80x128xi32, #tpu.memory_space<hbm>> -> memref<1x80x128xi32, #tpu.memory_space<hbm>>
        %dma_wait3A_272 = tpu.memref_squeeze %dma_wait3A_271 : memref<1x80x128xi32, #tpu.memory_space<hbm>> -> memref<80x128xi32, #tpu.memory_space<hbm>>
        %dma_wait3A_273 = arith.constant 0 : i32
        %dma_wait3A_274 = tpu.memref_slice %dma_wait3A_272[%multiple_of3A, %dma_wait3A_273] : memref<80x128xi32, #tpu.memory_space<hbm>> -> memref<8x128xi32, #tpu.memory_space<hbm>>
        %dma_wait3A_275 = arith.constant 0 : i32
        %dma_wait3A_276 = arith.constant 0 : i32
        %dma_wait3A_277 = tpu.memref_slice %arg4[%add3A, %dma_wait3A_275, %dma_wait3A_276] : memref<32x80x128xi32, #tpu.memory_space<hbm>> -> memref<1x80x128xi32, #tpu.memory_space<hbm>>
        %dma_wait3A_278 = tpu.memref_squeeze %dma_wait3A_277 : memref<1x80x128xi32, #tpu.memory_space<hbm>> -> memref<80x128xi32, #tpu.memory_space<hbm>>
        %dma_wait3A_279 = arith.constant 0 : i32
        %dma_wait3A_280 = tpu.memref_slice %dma_wait3A_278[%multiple_of3A, %dma_wait3A_279] : memref<80x128xi32, #tpu.memory_space<hbm>> -> memref<8x128xi32, #tpu.memory_space<hbm>>
        tpu.wait_dma2 semaphore(%run_scoped3A : memref<!tpu.dma_semaphore, #tpu.memory_space<semaphore_mem>>) src(%dma_wait3A_280 : memref<8x128xi32, #tpu.memory_space<hbm>>) dst(%arg8 : memref<8x128xi32, #tpu.memory_space<vmem>>)
        tpu.yield
      }) : () -> ()
      %add3A_28 = arith.constant 0 : i32
      %add3A_29 = arith.addi %mul3A_23, %add3A_28 : i32
      %mul3A_30 = arith.constant 128 : i32
      %mul3A_31 = arith.muli %add3A_29, %mul3A_30 : i32
      %dma_wait3A_32 = tpu.memref_slice %arg7[%mul3A_31] : memref<10240xi32, #tpu.memory_space<vmem>> -> memref<128xi32, #tpu.memory_space<vmem>>
      %dma_wait3A_33 = arith.constant 0 : i32
      %dma_wait3A_34 = arith.constant 0 : i32
      %dma_wait3A_35 = tpu.memref_slice %arg2[%dma_wait3A_33, %dma_wait3A_34] : memref<10000x128xf32, #tpu.memory_space<hbm>> -> memref<10000x128xf32, #tpu.memory_space<hbm>>
      tpu.wait_indirect_dma semaphore(%arg12 : memref<!tpu.dma_semaphore, #tpu.memory_space<semaphore_mem>>) src(%dma_wait3A_35 : memref<10000x128xf32, #tpu.memory_space<hbm>>) dst(%arg9 : memref<128x128xf32, #tpu.memory_space<vmem>>)
      %add3A_36 = arith.constant 1 : i32
      %add3A_37 = arith.addi %add3A_29, %add3A_36 : i32
      %mul3A_38 = arith.constant 128 : i32
      %mul3A_39 = arith.muli %add3A_37, %mul3A_38 : i32
      %dma_start3A_40 = tpu.memref_slice %arg7[%mul3A_39] : memref<10240xi32, #tpu.memory_space<vmem>> -> memref<128xi32, #tpu.memory_space<vmem>>
      %dma_start3A_41 = arith.constant 0 : i32
      %dma_start3A_42 = arith.constant 0 : i32
      %dma_start3A_43 = tpu.memref_slice %arg2[%dma_start3A_41, %dma_start3A_42] : memref<10000x128xf32, #tpu.memory_space<hbm>> -> memref<10000x128xf32, #tpu.memory_space<hbm>>
      tpu.enqueue_indirect_dma source(%dma_start3A_43 : memref<10000x128xf32, #tpu.memory_space<hbm>>) target(%arg10 : memref<128x128xf32, #tpu.memory_space<vmem>>) offsets(%dma_start3A_40 : memref<128xi32, #tpu.memory_space<vmem>>) semaphore(%arg13 : memref<!tpu.dma_semaphore, #tpu.memory_space<semaphore_mem>>)
      %dma_start3A_44 = arith.constant 0 : i32
      %dma_start3A_45 = arith.constant 0 : i32
      %dma_start3A_46 = tpu.memref_slice %arg8[%dma_start3A_44, %dma_start3A_45] : memref<8x128xi32, #tpu.memory_space<vmem>> -> memref<1x128xi32, #tpu.memory_space<vmem>>
      %dma_start3A_47 = tpu.memref_squeeze %dma_start3A_46 : memref<1x128xi32, #tpu.memory_space<vmem>> -> memref<128xi32, #tpu.memory_space<vmem>>
      %dma_start3A_48 = arith.constant 0 : i32
      %dma_start3A_49 = arith.constant 0 : i32
      %dma_start3A_50 = tpu.memref_slice %arg11[%dma_start3A_48, %dma_start3A_49] : memref<10000x128xf32, #tpu.memory_space<vmem_shared>> -> memref<10000x128xf32, #tpu.memory_space<vmem_shared>>
      tpu.enqueue_indirect_dma source(%arg9 : memref<128x128xf32, #tpu.memory_space<vmem>>) target(%dma_start3A_50 : memref<10000x128xf32, #tpu.memory_space<vmem_shared>>) offsets(%dma_start3A_47 : memref<128xi32, #tpu.memory_space<vmem>>) semaphore(%arg14 : memref<!tpu.dma_semaphore, #tpu.memory_space<semaphore_mem>>) {add = true}
      %add3A_51 = arith.constant 1 : i32
      %add3A_52 = arith.addi %mul3A_23, %add3A_51 : i32
      %mul3A_53 = arith.constant 128 : i32
      %mul3A_54 = arith.muli %add3A_52, %mul3A_53 : i32
      %dma_wait3A_55 = tpu.memref_slice %arg7[%mul3A_54] : memref<10240xi32, #tpu.memory_space<vmem>> -> memref<128xi32, #tpu.memory_space<vmem>>
      %dma_wait3A_56 = arith.constant 0 : i32
      %dma_wait3A_57 = arith.constant 0 : i32
      %dma_wait3A_58 = tpu.memref_slice %arg2[%dma_wait3A_56, %dma_wait3A_57] : memref<10000x128xf32, #tpu.memory_space<hbm>> -> memref<10000x128xf32, #tpu.memory_space<hbm>>
      tpu.wait_indirect_dma semaphore(%arg13 : memref<!tpu.dma_semaphore, #tpu.memory_space<semaphore_mem>>) src(%dma_wait3A_58 : memref<10000x128xf32, #tpu.memory_space<hbm>>) dst(%arg10 : memref<128x128xf32, #tpu.memory_space<vmem>>)
      %dma_wait3A_59 = arith.constant 0 : i32
      %dma_wait3A_60 = arith.constant 0 : i32
      %dma_wait3A_61 = tpu.memref_slice %arg8[%dma_wait3A_59, %dma_wait3A_60] : memref<8x128xi32, #tpu.memory_space<vmem>> -> memref<1x128xi32, #tpu.memory_space<vmem>>
      %dma_wait3A_62 = tpu.memref_squeeze %dma_wait3A_61 : memref<1x128xi32, #tpu.memory_space<vmem>> -> memref<128xi32, #tpu.memory_space<vmem>>
      %dma_wait3A_63 = arith.constant 0 : i32
      %dma_wait3A_64 = arith.constant 0 : i32
      %dma_wait3A_65 = tpu.memref_slice %arg11[%dma_wait3A_63, %dma_wait3A_64] : memref<10000x128xf32, #tpu.memory_space<vmem_shared>> -> memref<10000x128xf32, #tpu.memory_space<vmem_shared>>
      tpu.wait_indirect_dma semaphore(%arg14 : memref<!tpu.dma_semaphore, #tpu.memory_space<semaphore_mem>>) src(%arg9 : memref<128x128xf32, #tpu.memory_space<vmem>>) dst(%dma_wait3A_65 : memref<10000x128xf32, #tpu.memory_space<vmem_shared>>)
      %add3A_66 = arith.constant 1 : i32
      %add3A_67 = arith.addi %add3A_52, %add3A_66 : i32
      %mul3A_68 = arith.constant 128 : i32
      %mul3A_69 = arith.muli %add3A_67, %mul3A_68 : i32
      %dma_start3A_70 = tpu.memref_slice %arg7[%mul3A_69] : memref<10240xi32, #tpu.memory_space<vmem>> -> memref<128xi32, #tpu.memory_space<vmem>>
      %dma_start3A_71 = arith.constant 0 : i32
      %dma_start3A_72 = arith.constant 0 : i32
      %dma_start3A_73 = tpu.memref_slice %arg2[%dma_start3A_71, %dma_start3A_72] : memref<10000x128xf32, #tpu.memory_space<hbm>> -> memref<10000x128xf32, #tpu.memory_space<hbm>>
      tpu.enqueue_indirect_dma source(%dma_start3A_73 : memref<10000x128xf32, #tpu.memory_space<hbm>>) target(%arg9 : memref<128x128xf32, #tpu.memory_space<vmem>>) offsets(%dma_start3A_70 : memref<128xi32, #tpu.memory_space<vmem>>) semaphore(%arg12 : memref<!tpu.dma_semaphore, #tpu.memory_space<semaphore_mem>>)
      %dma_start3A_74 = arith.constant 1 : i32
      %dma_start3A_75 = arith.constant 0 : i32
      %dma_start3A_76 = tpu.memref_slice %arg8[%dma_start3A_74, %dma_start3A_75] : memref<8x128xi32, #tpu.memory_space<vmem>> -> memref<1x128xi32, #tpu.memory_space<vmem>>
      %dma_start3A_77 = tpu.memref_squeeze %dma_start3A_76 : memref<1x128xi32, #tpu.memory_space<vmem>> -> memref<128xi32, #tpu.memory_space<vmem>>
      %dma_start3A_78 = arith.constant 0 : i32
      %dma_start3A_79 = arith.constant 0 : i32
      %dma_start3A_80 = tpu.memref_slice %arg11[%dma_start3A_78, %dma_start3A_79] : memref<10000x128xf32, #tpu.memory_space<vmem_shared>> -> memref<10000x128xf32, #tpu.memory_space<vmem_shared>>
      tpu.enqueue_indirect_dma source(%arg10 : memref<128x128xf32, #tpu.memory_space<vmem>>) target(%dma_start3A_80 : memref<10000x128xf32, #tpu.memory_space<vmem_shared>>) offsets(%dma_start3A_77 : memref<128xi32, #tpu.memory_space<vmem>>) semaphore(%arg15 : memref<!tpu.dma_semaphore, #tpu.memory_space<semaphore_mem>>) {add = true}
      %add3A_81 = arith.constant 2 : i32
      %add3A_82 = arith.addi %mul3A_23, %add3A_81 : i32
      %mul3A_83 = arith.constant 128 : i32
      %mul3A_84 = arith.muli %add3A_82, %mul3A_83 : i32
      %dma_wait3A_85 = tpu.memref_slice %arg7[%mul3A_84] : memref<10240xi32, #tpu.memory_space<vmem>> -> memref<128xi32, #tpu.memory_space<vmem>>
      %dma_wait3A_86 = arith.constant 0 : i32
      %dma_wait3A_87 = arith.constant 0 : i32
      %dma_wait3A_88 = tpu.memref_slice %arg2[%dma_wait3A_86, %dma_wait3A_87] : memref<10000x128xf32, #tpu.memory_space<hbm>> -> memref<10000x128xf32, #tpu.memory_space<hbm>>
      tpu.wait_indirect_dma semaphore(%arg12 : memref<!tpu.dma_semaphore, #tpu.memory_space<semaphore_mem>>) src(%dma_wait3A_88 : memref<10000x128xf32, #tpu.memory_space<hbm>>) dst(%arg9 : memref<128x128xf32, #tpu.memory_space<vmem>>)
      %dma_wait3A_89 = arith.constant 1 : i32
      %dma_wait3A_90 = arith.constant 0 : i32
      %dma_wait3A_91 = tpu.memref_slice %arg8[%dma_wait3A_89, %dma_wait3A_90] : memref<8x128xi32, #tpu.memory_space<vmem>> -> memref<1x128xi32, #tpu.memory_space<vmem>>
      %dma_wait3A_92 = tpu.memref_squeeze %dma_wait3A_91 : memref<1x128xi32, #tpu.memory_space<vmem>> -> memref<128xi32, #tpu.memory_space<vmem>>
      %dma_wait3A_93 = arith.constant 0 : i32
      %dma_wait3A_94 = arith.constant 0 : i32
      %dma_wait3A_95 = tpu.memref_slice %arg11[%dma_wait3A_93, %dma_wait3A_94] : memref<10000x128xf32, #tpu.memory_space<vmem_shared>> -> memref<10000x128xf32, #tpu.memory_space<vmem_shared>>
      tpu.wait_indirect_dma semaphore(%arg15 : memref<!tpu.dma_semaphore, #tpu.memory_space<semaphore_mem>>) src(%arg10 : memref<128x128xf32, #tpu.memory_space<vmem>>) dst(%dma_wait3A_95 : memref<10000x128xf32, #tpu.memory_space<vmem_shared>>)
      %add3A_96 = arith.constant 1 : i32
      %add3A_97 = arith.addi %add3A_82, %add3A_96 : i32
      %mul3A_98 = arith.constant 128 : i32
      %mul3A_99 = arith.muli %add3A_97, %mul3A_98 : i32
      %dma_start3A_100 = tpu.memref_slice %arg7[%mul3A_99] : memref<10240xi32, #tpu.memory_space<vmem>> -> memref<128xi32, #tpu.memory_space<vmem>>
      %dma_start3A_101 = arith.constant 0 : i32
      %dma_start3A_102 = arith.constant 0 : i32
      %dma_start3A_103 = tpu.memref_slice %arg2[%dma_start3A_101, %dma_start3A_102] : memref<10000x128xf32, #tpu.memory_space<hbm>> -> memref<10000x128xf32, #tpu.memory_space<hbm>>
      tpu.enqueue_indirect_dma source(%dma_start3A_103 : memref<10000x128xf32, #tpu.memory_space<hbm>>) target(%arg10 : memref<128x128xf32, #tpu.memory_space<vmem>>) offsets(%dma_start3A_100 : memref<128xi32, #tpu.memory_space<vmem>>) semaphore(%arg13 : memref<!tpu.dma_semaphore, #tpu.memory_space<semaphore_mem>>)
      %dma_start3A_104 = arith.constant 2 : i32
      %dma_start3A_105 = arith.constant 0 : i32
      %dma_start3A_106 = tpu.memref_slice %arg8[%dma_start3A_104, %dma_start3A_105] : memref<8x128xi32, #tpu.memory_space<vmem>> -> memref<1x128xi32, #tpu.memory_space<vmem>>
      %dma_start3A_107 = tpu.memref_squeeze %dma_start3A_106 : memref<1x128xi32, #tpu.memory_space<vmem>> -> memref<128xi32, #tpu.memory_space<vmem>>
      %dma_start3A_108 = arith.constant 0 : i32
      %dma_start3A_109 = arith.constant 0 : i32
      %dma_start3A_110 = tpu.memref_slice %arg11[%dma_start3A_108, %dma_start3A_109] : memref<10000x128xf32, #tpu.memory_space<vmem_shared>> -> memref<10000x128xf32, #tpu.memory_space<vmem_shared>>
      tpu.enqueue_indirect_dma source(%arg9 : memref<128x128xf32, #tpu.memory_space<vmem>>) target(%dma_start3A_110 : memref<10000x128xf32, #tpu.memory_space<vmem_shared>>) offsets(%dma_start3A_107 : memref<128xi32, #tpu.memory_space<vmem>>) semaphore(%arg14 : memref<!tpu.dma_semaphore, #tpu.memory_space<semaphore_mem>>) {add = true}
      %add3A_111 = arith.constant 3 : i32
      %add3A_112 = arith.addi %mul3A_23, %add3A_111 : i32
      %mul3A_113 = arith.constant 128 : i32
      %mul3A_114 = arith.muli %add3A_112, %mul3A_113 : i32
      %dma_wait3A_115 = tpu.memref_slice %arg7[%mul3A_114] : memref<10240xi32, #tpu.memory_space<vmem>> -> memref<128xi32, #tpu.memory_space<vmem>>
      %dma_wait3A_116 = arith.constant 0 : i32
      %dma_wait3A_117 = arith.constant 0 : i32
      %dma_wait3A_118 = tpu.memref_slice %arg2[%dma_wait3A_116, %dma_wait3A_117] : memref<10000x128xf32, #tpu.memory_space<hbm>> -> memref<10000x128xf32, #tpu.memory_space<hbm>>
      tpu.wait_indirect_dma semaphore(%arg13 : memref<!tpu.dma_semaphore, #tpu.memory_space<semaphore_mem>>) src(%dma_wait3A_118 : memref<10000x128xf32, #tpu.memory_space<hbm>>) dst(%arg10 : memref<128x128xf32, #tpu.memory_space<vmem>>)
      %dma_wait3A_119 = arith.constant 2 : i32
      %dma_wait3A_120 = arith.constant 0 : i32
      %dma_wait3A_121 = tpu.memref_slice %arg8[%dma_wait3A_119, %dma_wait3A_120] : memref<8x128xi32, #tpu.memory_space<vmem>> -> memref<1x128xi32, #tpu.memory_space<vmem>>
      %dma_wait3A_122 = tpu.memref_squeeze %dma_wait3A_121 : memref<1x128xi32, #tpu.memory_space<vmem>> -> memref<128xi32, #tpu.memory_space<vmem>>
      %dma_wait3A_123 = arith.constant 0 : i32
      %dma_wait3A_124 = arith.constant 0 : i32
      %dma_wait3A_125 = tpu.memref_slice %arg11[%dma_wait3A_123, %dma_wait3A_124] : memref<10000x128xf32, #tpu.memory_space<vmem_shared>> -> memref<10000x128xf32, #tpu.memory_space<vmem_shared>>
      tpu.wait_indirect_dma semaphore(%arg14 : memref<!tpu.dma_semaphore, #tpu.memory_space<semaphore_mem>>) src(%arg9 : memref<128x128xf32, #tpu.memory_space<vmem>>) dst(%dma_wait3A_125 : memref<10000x128xf32, #tpu.memory_space<vmem_shared>>)
      %add3A_126 = arith.constant 1 : i32
      %add3A_127 = arith.addi %add3A_112, %add3A_126 : i32
      %mul3A_128 = arith.constant 128 : i32
      %mul3A_129 = arith.muli %add3A_127, %mul3A_128 : i32
      %dma_start3A_130 = tpu.memref_slice %arg7[%mul3A_129] : memref<10240xi32, #tpu.memory_space<vmem>> -> memref<128xi32, #tpu.memory_space<vmem>>
      %dma_start3A_131 = arith.constant 0 : i32
      %dma_start3A_132 = arith.constant 0 : i32
      %dma_start3A_133 = tpu.memref_slice %arg2[%dma_start3A_131, %dma_start3A_132] : memref<10000x128xf32, #tpu.memory_space<hbm>> -> memref<10000x128xf32, #tpu.memory_space<hbm>>
      tpu.enqueue_indirect_dma source(%dma_start3A_133 : memref<10000x128xf32, #tpu.memory_space<hbm>>) target(%arg9 : memref<128x128xf32, #tpu.memory_space<vmem>>) offsets(%dma_start3A_130 : memref<128xi32, #tpu.memory_space<vmem>>) semaphore(%arg12 : memref<!tpu.dma_semaphore, #tpu.memory_space<semaphore_mem>>)
      %dma_start3A_134 = arith.constant 3 : i32
      %dma_start3A_135 = arith.constant 0 : i32
      %dma_start3A_136 = tpu.memref_slice %arg8[%dma_start3A_134, %dma_start3A_135] : memref<8x128xi32, #tpu.memory_space<vmem>> -> memref<1x128xi32, #tpu.memory_space<vmem>>
      %dma_start3A_137 = tpu.memref_squeeze %dma_start3A_136 : memref<1x128xi32, #tpu.memory_space<vmem>> -> memref<128xi32, #tpu.memory_space<vmem>>
      %dma_start3A_138 = arith.constant 0 : i32
      %dma_start3A_139 = arith.constant 0 : i32
      %dma_start3A_140 = tpu.memref_slice %arg11[%dma_start3A_138, %dma_start3A_139] : memref<10000x128xf32, #tpu.memory_space<vmem_shared>> -> memref<10000x128xf32, #tpu.memory_space<vmem_shared>>
      tpu.enqueue_indirect_dma source(%arg10 : memref<128x128xf32, #tpu.memory_space<vmem>>) target(%dma_start3A_140 : memref<10000x128xf32, #tpu.memory_space<vmem_shared>>) offsets(%dma_start3A_137 : memref<128xi32, #tpu.memory_space<vmem>>) semaphore(%arg15 : memref<!tpu.dma_semaphore, #tpu.memory_space<semaphore_mem>>) {add = true}
      %add3A_141 = arith.constant 4 : i32
      %add3A_142 = arith.addi %mul3A_23, %add3A_141 : i32
      %mul3A_143 = arith.constant 128 : i32
      %mul3A_144 = arith.muli %add3A_142, %mul3A_143 : i32
      %dma_wait3A_145 = tpu.memref_slice %arg7[%mul3A_144] : memref<10240xi32, #tpu.memory_space<vmem>> -> memref<128xi32, #tpu.memory_space<vmem>>
      %dma_wait3A_146 = arith.constant 0 : i32
      %dma_wait3A_147 = arith.constant 0 : i32
      %dma_wait3A_148 = tpu.memref_slice %arg2[%dma_wait3A_146, %dma_wait3A_147] : memref<10000x128xf32, #tpu.memory_space<hbm>> -> memref<10000x128xf32, #tpu.memory_space<hbm>>
      tpu.wait_indirect_dma semaphore(%arg12 : memref<!tpu.dma_semaphore, #tpu.memory_space<semaphore_mem>>) src(%dma_wait3A_148 : memref<10000x128xf32, #tpu.memory_space<hbm>>) dst(%arg9 : memref<128x128xf32, #tpu.memory_space<vmem>>)
      %dma_wait3A_149 = arith.constant 3 : i32
      %dma_wait3A_150 = arith.constant 0 : i32
      %dma_wait3A_151 = tpu.memref_slice %arg8[%dma_wait3A_149, %dma_wait3A_150] : memref<8x128xi32, #tpu.memory_space<vmem>> -> memref<1x128xi32, #tpu.memory_space<vmem>>
      %dma_wait3A_152 = tpu.memref_squeeze %dma_wait3A_151 : memref<1x128xi32, #tpu.memory_space<vmem>> -> memref<128xi32, #tpu.memory_space<vmem>>
      %dma_wait3A_153 = arith.constant 0 : i32
      %dma_wait3A_154 = arith.constant 0 : i32
      %dma_wait3A_155 = tpu.memref_slice %arg11[%dma_wait3A_153, %dma_wait3A_154] : memref<10000x128xf32, #tpu.memory_space<vmem_shared>> -> memref<10000x128xf32, #tpu.memory_space<vmem_shared>>
      tpu.wait_indirect_dma semaphore(%arg15 : memref<!tpu.dma_semaphore, #tpu.memory_space<semaphore_mem>>) src(%arg10 : memref<128x128xf32, #tpu.memory_space<vmem>>) dst(%dma_wait3A_155 : memref<10000x128xf32, #tpu.memory_space<vmem_shared>>)
      %add3A_156 = arith.constant 1 : i32
      %add3A_157 = arith.addi %add3A_142, %add3A_156 : i32
      %mul3A_158 = arith.constant 128 : i32
      %mul3A_159 = arith.muli %add3A_157, %mul3A_158 : i32
      %dma_start3A_160 = tpu.memref_slice %arg7[%mul3A_159] : memref<10240xi32, #tpu.memory_space<vmem>> -> memref<128xi32, #tpu.memory_space<vmem>>
      %dma_start3A_161 = arith.constant 0 : i32
      %dma_start3A_162 = arith.constant 0 : i32
      %dma_start3A_163 = tpu.memref_slice %arg2[%dma_start3A_161, %dma_start3A_162] : memref<10000x128xf32, #tpu.memory_space<hbm>> -> memref<10000x128xf32, #tpu.memory_space<hbm>>
      tpu.enqueue_indirect_dma source(%dma_start3A_163 : memref<10000x128xf32, #tpu.memory_space<hbm>>) target(%arg10 : memref<128x128xf32, #tpu.memory_space<vmem>>) offsets(%dma_start3A_160 : memref<128xi32, #tpu.memory_space<vmem>>) semaphore(%arg13 : memref<!tpu.dma_semaphore, #tpu.memory_space<semaphore_mem>>)
      %dma_start3A_164 = arith.constant 4 : i32
      %dma_start3A_165 = arith.constant 0 : i32
      %dma_start3A_166 = tpu.memref_slice %arg8[%dma_start3A_164, %dma_start3A_165] : memref<8x128xi32, #tpu.memory_space<vmem>> -> memref<1x128xi32, #tpu.memory_space<vmem>>
      %dma_start3A_167 = tpu.memref_squeeze %dma_start3A_166 : memref<1x128xi32, #tpu.memory_space<vmem>> -> memref<128xi32, #tpu.memory_space<vmem>>
      %dma_start3A_168 = arith.constant 0 : i32
      %dma_start3A_169 = arith.constant 0 : i32
      %dma_start3A_170 = tpu.memref_slice %arg11[%dma_start3A_168, %dma_start3A_169] : memref<10000x128xf32, #tpu.memory_space<vmem_shared>> -> memref<10000x128xf32, #tpu.memory_space<vmem_shared>>
      tpu.enqueue_indirect_dma source(%arg9 : memref<128x128xf32, #tpu.memory_space<vmem>>) target(%dma_start3A_170 : memref<10000x128xf32, #tpu.memory_space<vmem_shared>>) offsets(%dma_start3A_167 : memref<128xi32, #tpu.memory_space<vmem>>) semaphore(%arg14 : memref<!tpu.dma_semaphore, #tpu.memory_space<semaphore_mem>>) {add = true}
      %add3A_171 = arith.constant 5 : i32
      %add3A_172 = arith.addi %mul3A_23, %add3A_171 : i32
      %mul3A_173 = arith.constant 128 : i32
      %mul3A_174 = arith.muli %add3A_172, %mul3A_173 : i32
      %dma_wait3A_175 = tpu.memref_slice %arg7[%mul3A_174] : memref<10240xi32, #tpu.memory_space<vmem>> -> memref<128xi32, #tpu.memory_space<vmem>>
      %dma_wait3A_176 = arith.constant 0 : i32
      %dma_wait3A_177 = arith.constant 0 : i32
      %dma_wait3A_178 = tpu.memref_slice %arg2[%dma_wait3A_176, %dma_wait3A_177] : memref<10000x128xf32, #tpu.memory_space<hbm>> -> memref<10000x128xf32, #tpu.memory_space<hbm>>
      tpu.wait_indirect_dma semaphore(%arg13 : memref<!tpu.dma_semaphore, #tpu.memory_space<semaphore_mem>>) src(%dma_wait3A_178 : memref<10000x128xf32, #tpu.memory_space<hbm>>) dst(%arg10 : memref<128x128xf32, #tpu.memory_space<vmem>>)
      %dma_wait3A_179 = arith.constant 4 : i32
      %dma_wait3A_180 = arith.constant 0 : i32
      %dma_wait3A_181 = tpu.memref_slice %arg8[%dma_wait3A_179, %dma_wait3A_180] : memref<8x128xi32, #tpu.memory_space<vmem>> -> memref<1x128xi32, #tpu.memory_space<vmem>>
      %dma_wait3A_182 = tpu.memref_squeeze %dma_wait3A_181 : memref<1x128xi32, #tpu.memory_space<vmem>> -> memref<128xi32, #tpu.memory_space<vmem>>
      %dma_wait3A_183 = arith.constant 0 : i32
      %dma_wait3A_184 = arith.constant 0 : i32
      %dma_wait3A_185 = tpu.memref_slice %arg11[%dma_wait3A_183, %dma_wait3A_184] : memref<10000x128xf32, #tpu.memory_space<vmem_shared>> -> memref<10000x128xf32, #tpu.memory_space<vmem_shared>>
      tpu.wait_indirect_dma semaphore(%arg14 : memref<!tpu.dma_semaphore, #tpu.memory_space<semaphore_mem>>) src(%arg9 : memref<128x128xf32, #tpu.memory_space<vmem>>) dst(%dma_wait3A_185 : memref<10000x128xf32, #tpu.memory_space<vmem_shared>>)
      %add3A_186 = arith.constant 1 : i32
      %add3A_187 = arith.addi %add3A_172, %add3A_186 : i32
      %mul3A_188 = arith.constant 128 : i32
      %mul3A_189 = arith.muli %add3A_187, %mul3A_188 : i32
      %dma_start3A_190 = tpu.memref_slice %arg7[%mul3A_189] : memref<10240xi32, #tpu.memory_space<vmem>> -> memref<128xi32, #tpu.memory_space<vmem>>
      %dma_start3A_191 = arith.constant 0 : i32
      %dma_start3A_192 = arith.constant 0 : i32
      %dma_start3A_193 = tpu.memref_slice %arg2[%dma_start3A_191, %dma_start3A_192] : memref<10000x128xf32, #tpu.memory_space<hbm>> -> memref<10000x128xf32, #tpu.memory_space<hbm>>
      tpu.enqueue_indirect_dma source(%dma_start3A_193 : memref<10000x128xf32, #tpu.memory_space<hbm>>) target(%arg9 : memref<128x128xf32, #tpu.memory_space<vmem>>) offsets(%dma_start3A_190 : memref<128xi32, #tpu.memory_space<vmem>>) semaphore(%arg12 : memref<!tpu.dma_semaphore, #tpu.memory_space<semaphore_mem>>)
      %dma_start3A_194 = arith.constant 5 : i32
      %dma_start3A_195 = arith.constant 0 : i32
      %dma_start3A_196 = tpu.memref_slice %arg8[%dma_start3A_194, %dma_start3A_195] : memref<8x128xi32, #tpu.memory_space<vmem>> -> memref<1x128xi32, #tpu.memory_space<vmem>>
      %dma_start3A_197 = tpu.memref_squeeze %dma_start3A_196 : memref<1x128xi32, #tpu.memory_space<vmem>> -> memref<128xi32, #tpu.memory_space<vmem>>
      %dma_start3A_198 = arith.constant 0 : i32
      %dma_start3A_199 = arith.constant 0 : i32
      %dma_start3A_200 = tpu.memref_slice %arg11[%dma_start3A_198, %dma_start3A_199] : memref<10000x128xf32, #tpu.memory_space<vmem_shared>> -> memref<10000x128xf32, #tpu.memory_space<vmem_shared>>
      tpu.enqueue_indirect_dma source(%arg10 : memref<128x128xf32, #tpu.memory_space<vmem>>) target(%dma_start3A_200 : memref<10000x128xf32, #tpu.memory_space<vmem_shared>>) offsets(%dma_start3A_197 : memref<128xi32, #tpu.memory_space<vmem>>) semaphore(%arg15 : memref<!tpu.dma_semaphore, #tpu.memory_space<semaphore_mem>>) {add = true}
      %add3A_201 = arith.constant 6 : i32
      %add3A_202 = arith.addi %mul3A_23, %add3A_201 : i32
      %mul3A_203 = arith.constant 128 : i32
      %mul3A_204 = arith.muli %add3A_202, %mul3A_203 : i32
      %dma_wait3A_205 = tpu.memref_slice %arg7[%mul3A_204] : memref<10240xi32, #tpu.memory_space<vmem>> -> memref<128xi32, #tpu.memory_space<vmem>>
      %dma_wait3A_206 = arith.constant 0 : i32
      %dma_wait3A_207 = arith.constant 0 : i32
      %dma_wait3A_208 = tpu.memref_slice %arg2[%dma_wait3A_206, %dma_wait3A_207] : memref<10000x128xf32, #tpu.memory_space<hbm>> -> memref<10000x128xf32, #tpu.memory_space<hbm>>
      tpu.wait_indirect_dma semaphore(%arg12 : memref<!tpu.dma_semaphore, #tpu.memory_space<semaphore_mem>>) src(%dma_wait3A_208 : memref<10000x128xf32, #tpu.memory_space<hbm>>) dst(%arg9 : memref<128x128xf32, #tpu.memory_space<vmem>>)
      %dma_wait3A_209 = arith.constant 5 : i32
      %dma_wait3A_210 = arith.constant 0 : i32
      %dma_wait3A_211 = tpu.memref_slice %arg8[%dma_wait3A_209, %dma_wait3A_210] : memref<8x128xi32, #tpu.memory_space<vmem>> -> memref<1x128xi32, #tpu.memory_space<vmem>>
      %dma_wait3A_212 = tpu.memref_squeeze %dma_wait3A_211 : memref<1x128xi32, #tpu.memory_space<vmem>> -> memref<128xi32, #tpu.memory_space<vmem>>
      %dma_wait3A_213 = arith.constant 0 : i32
      %dma_wait3A_214 = arith.constant 0 : i32
      %dma_wait3A_215 = tpu.memref_slice %arg11[%dma_wait3A_213, %dma_wait3A_214] : memref<10000x128xf32, #tpu.memory_space<vmem_shared>> -> memref<10000x128xf32, #tpu.memory_space<vmem_shared>>
      tpu.wait_indirect_dma semaphore(%arg15 : memref<!tpu.dma_semaphore, #tpu.memory_space<semaphore_mem>>) src(%arg10 : memref<128x128xf32, #tpu.memory_space<vmem>>) dst(%dma_wait3A_215 : memref<10000x128xf32, #tpu.memory_space<vmem_shared>>)
      %add3A_216 = arith.constant 1 : i32
      %add3A_217 = arith.addi %add3A_202, %add3A_216 : i32
      %mul3A_218 = arith.constant 128 : i32
      %mul3A_219 = arith.muli %add3A_217, %mul3A_218 : i32
      %dma_start3A_220 = tpu.memref_slice %arg7[%mul3A_219] : memref<10240xi32, #tpu.memory_space<vmem>> -> memref<128xi32, #tpu.memory_space<vmem>>
      %dma_start3A_221 = arith.constant 0 : i32
      %dma_start3A_222 = arith.constant 0 : i32
      %dma_start3A_223 = tpu.memref_slice %arg2[%dma_start3A_221, %dma_start3A_222] : memref<10000x128xf32, #tpu.memory_space<hbm>> -> memref<10000x128xf32, #tpu.memory_space<hbm>>
      tpu.enqueue_indirect_dma source(%dma_start3A_223 : memref<10000x128xf32, #tpu.memory_space<hbm>>) target(%arg10 : memref<128x128xf32, #tpu.memory_space<vmem>>) offsets(%dma_start3A_220 : memref<128xi32, #tpu.memory_space<vmem>>) semaphore(%arg13 : memref<!tpu.dma_semaphore, #tpu.memory_space<semaphore_mem>>)
      %dma_start3A_224 = arith.constant 6 : i32
      %dma_start3A_225 = arith.constant 0 : i32
      %dma_start3A_226 = tpu.memref_slice %arg8[%dma_start3A_224, %dma_start3A_225] : memref<8x128xi32, #tpu.memory_space<vmem>> -> memref<1x128xi32, #tpu.memory_space<vmem>>
      %dma_start3A_227 = tpu.memref_squeeze %dma_start3A_226 : memref<1x128xi32, #tpu.memory_space<vmem>> -> memref<128xi32, #tpu.memory_space<vmem>>
      %dma_start3A_228 = arith.constant 0 : i32
      %dma_start3A_229 = arith.constant 0 : i32
      %dma_start3A_230 = tpu.memref_slice %arg11[%dma_start3A_228, %dma_start3A_229] : memref<10000x128xf32, #tpu.memory_space<vmem_shared>> -> memref<10000x128xf32, #tpu.memory_space<vmem_shared>>
      tpu.enqueue_indirect_dma source(%arg9 : memref<128x128xf32, #tpu.memory_space<vmem>>) target(%dma_start3A_230 : memref<10000x128xf32, #tpu.memory_space<vmem_shared>>) offsets(%dma_start3A_227 : memref<128xi32, #tpu.memory_space<vmem>>) semaphore(%arg14 : memref<!tpu.dma_semaphore, #tpu.memory_space<semaphore_mem>>) {add = true}
      %add3A_231 = arith.constant 7 : i32
      %add3A_232 = arith.addi %mul3A_23, %add3A_231 : i32
      %mul3A_233 = arith.constant 128 : i32
      %mul3A_234 = arith.muli %add3A_232, %mul3A_233 : i32
      %dma_wait3A_235 = tpu.memref_slice %arg7[%mul3A_234] : memref<10240xi32, #tpu.memory_space<vmem>> -> memref<128xi32, #tpu.memory_space<vmem>>
      %dma_wait3A_236 = arith.constant 0 : i32
      %dma_wait3A_237 = arith.constant 0 : i32
      %dma_wait3A_238 = tpu.memref_slice %arg2[%dma_wait3A_236, %dma_wait3A_237] : memref<10000x128xf32, #tpu.memory_space<hbm>> -> memref<10000x128xf32, #tpu.memory_space<hbm>>
      tpu.wait_indirect_dma semaphore(%arg13 : memref<!tpu.dma_semaphore, #tpu.memory_space<semaphore_mem>>) src(%dma_wait3A_238 : memref<10000x128xf32, #tpu.memory_space<hbm>>) dst(%arg10 : memref<128x128xf32, #tpu.memory_space<vmem>>)
      %dma_wait3A_239 = arith.constant 6 : i32
      %dma_wait3A_240 = arith.constant 0 : i32
      %dma_wait3A_241 = tpu.memref_slice %arg8[%dma_wait3A_239, %dma_wait3A_240] : memref<8x128xi32, #tpu.memory_space<vmem>> -> memref<1x128xi32, #tpu.memory_space<vmem>>
      %dma_wait3A_242 = tpu.memref_squeeze %dma_wait3A_241 : memref<1x128xi32, #tpu.memory_space<vmem>> -> memref<128xi32, #tpu.memory_space<vmem>>
      %dma_wait3A_243 = arith.constant 0 : i32
      %dma_wait3A_244 = arith.constant 0 : i32
      %dma_wait3A_245 = tpu.memref_slice %arg11[%dma_wait3A_243, %dma_wait3A_244] : memref<10000x128xf32, #tpu.memory_space<vmem_shared>> -> memref<10000x128xf32, #tpu.memory_space<vmem_shared>>
      tpu.wait_indirect_dma semaphore(%arg14 : memref<!tpu.dma_semaphore, #tpu.memory_space<semaphore_mem>>) src(%arg9 : memref<128x128xf32, #tpu.memory_space<vmem>>) dst(%dma_wait3A_245 : memref<10000x128xf32, #tpu.memory_space<vmem_shared>>)
      %lt3A = arith.constant 9 : i32
      %lt3A_246 = arith.cmpi slt, %scan3A_21, %lt3A : i32
      %convert_element_type3A_247 = arith.extui %lt3A_246 : i1 to i32
      %cond3A_248 = arith.constant 0 : i32
      %cond3A_249 = arith.cmpi ne, %convert_element_type3A_247, %cond3A_248 : i32
      scf.if %cond3A_249 {
        %add3A_257 = arith.constant 1 : i32
        %add3A_258 = arith.addi %add3A_232, %add3A_257 : i32
        %mul3A_259 = arith.constant 128 : i32
        %mul3A_260 = arith.muli %add3A_258, %mul3A_259 : i32
        %dma_start3A_261 = tpu.memref_slice %arg7[%mul3A_260] : memref<10240xi32, #tpu.memory_space<vmem>> -> memref<128xi32, #tpu.memory_space<vmem>>
        %dma_start3A_262 = arith.constant 0 : i32
        %dma_start3A_263 = arith.constant 0 : i32
        %dma_start3A_264 = tpu.memref_slice %arg2[%dma_start3A_262, %dma_start3A_263] : memref<10000x128xf32, #tpu.memory_space<hbm>> -> memref<10000x128xf32, #tpu.memory_space<hbm>>
        tpu.enqueue_indirect_dma source(%dma_start3A_264 : memref<10000x128xf32, #tpu.memory_space<hbm>>) target(%arg9 : memref<128x128xf32, #tpu.memory_space<vmem>>) offsets(%dma_start3A_261 : memref<128xi32, #tpu.memory_space<vmem>>) semaphore(%arg12 : memref<!tpu.dma_semaphore, #tpu.memory_space<semaphore_mem>>)
      } else {
      }
      %dma_start3A_250 = arith.constant 7 : i32
      %dma_start3A_251 = arith.constant 0 : i32
      %dma_start3A_252 = tpu.memref_slice %arg8[%dma_start3A_250, %dma_start3A_251] : memref<8x128xi32, #tpu.memory_space<vmem>> -> memref<1x128xi32, #tpu.memory_space<vmem>>
      %dma_start3A_253 = tpu.memref_squeeze %dma_start3A_252 : memref<1x128xi32, #tpu.memory_space<vmem>> -> memref<128xi32, #tpu.memory_space<vmem>>
      %dma_start3A_254 = arith.constant 0 : i32
      %dma_start3A_255 = arith.constant 0 : i32
      %dma_start3A_256 = tpu.memref_slice %arg11[%dma_start3A_254, %dma_start3A_255] : memref<10000x128xf32, #tpu.memory_space<vmem_shared>> -> memref<10000x128xf32, #tpu.memory_space<vmem_shared>>
      tpu.enqueue_indirect_dma source(%arg10 : memref<128x128xf32, #tpu.memory_space<vmem>>) target(%dma_start3A_256 : memref<10000x128xf32, #tpu.memory_space<vmem_shared>>) offsets(%dma_start3A_253 : memref<128xi32, #tpu.memory_space<vmem>>) semaphore(%arg15 : memref<!tpu.dma_semaphore, #tpu.memory_space<semaphore_mem>>) {add = true}
    }
    %scan3A_11 = arith.constant 10 : i32
    %dma_wait3A = arith.constant 7 : i32
    %dma_wait3A_12 = arith.constant 0 : i32
    %dma_wait3A_13 = tpu.memref_slice %arg8[%dma_wait3A, %dma_wait3A_12] : memref<8x128xi32, #tpu.memory_space<vmem>> -> memref<1x128xi32, #tpu.memory_space<vmem>>
    %dma_wait3A_14 = tpu.memref_squeeze %dma_wait3A_13 : memref<1x128xi32, #tpu.memory_space<vmem>> -> memref<128xi32, #tpu.memory_space<vmem>>
    %dma_wait3A_15 = arith.constant 0 : i32
    %dma_wait3A_16 = arith.constant 0 : i32
    %dma_wait3A_17 = tpu.memref_slice %arg11[%dma_wait3A_15, %dma_wait3A_16] : memref<10000x128xf32, #tpu.memory_space<vmem_shared>> -> memref<10000x128xf32, #tpu.memory_space<vmem_shared>>
    tpu.wait_indirect_dma semaphore(%arg15 : memref<!tpu.dma_semaphore, #tpu.memory_space<semaphore_mem>>) src(%arg10 : memref<128x128xf32, #tpu.memory_space<vmem>>) dst(%dma_wait3A_17 : memref<10000x128xf32, #tpu.memory_space<vmem_shared>>)
    %barrier3A_18 = arith.constant 0 : index
    tpu.barrier barrier_id(%barrier3A_18)
    %mul3A_19 = arith.constant 625 : i32
    %mul3A_20 = arith.muli %arg1, %mul3A_19 : i32
    "tpu.region"() ({
      %run_scoped3A = tpu.sem_alloc : memref<!tpu.dma_semaphore, #tpu.memory_space<semaphore_mem>>
      %dma_start3A_21 = arith.constant 0 : i32
      %dma_start3A_22 = arith.constant 0 : i32
      %dma_start3A_23 = arith.constant 0 : i32
      %dma_start3A_24 = tpu.memref_slice %arg6[%arg0, %dma_start3A_21, %dma_start3A_22, %dma_start3A_23] : memref<2x16x625x128xf32, #tpu.memory_space<hbm>> -> memref<1x16x625x128xf32, #tpu.memory_space<hbm>>
      %dma_start3A_25 = tpu.memref_squeeze %dma_start3A_24 : memref<1x16x625x128xf32, #tpu.memory_space<hbm>> -> memref<16x625x128xf32, #tpu.memory_space<hbm>>
      %dma_start3A_26 = arith.constant 0 : i32
      %dma_start3A_27 = arith.constant 0 : i32
      %dma_start3A_28 = tpu.memref_slice %dma_start3A_25[%arg1, %dma_start3A_26, %dma_start3A_27] : memref<16x625x128xf32, #tpu.memory_space<hbm>> -> memref<1x625x128xf32, #tpu.memory_space<hbm>>
      %dma_start3A_29 = tpu.memref_squeeze %dma_start3A_28 : memref<1x625x128xf32, #tpu.memory_space<hbm>> -> memref<625x128xf32, #tpu.memory_space<hbm>>
      %dma_start3A_30 = arith.constant 0 : i32
      %dma_start3A_31 = tpu.memref_slice %arg11[%mul3A_20, %dma_start3A_30] : memref<10000x128xf32, #tpu.memory_space<vmem_shared>> -> memref<625x128xf32, #tpu.memory_space<vmem_shared>>
      tpu.enqueue_dma source(%dma_start3A_31 : memref<625x128xf32, #tpu.memory_space<vmem_shared>>) target(%dma_start3A_29 : memref<625x128xf32, #tpu.memory_space<hbm>>) target_semaphore(%run_scoped3A : memref<!tpu.dma_semaphore, #tpu.memory_space<semaphore_mem>>)
      %dma_wait3A_32 = arith.constant 0 : i32
      %dma_wait3A_33 = arith.constant 0 : i32
      %dma_wait3A_34 = arith.constant 0 : i32
      %dma_wait3A_35 = tpu.memref_slice %arg6[%arg0, %dma_wait3A_32, %dma_wait3A_33, %dma_wait3A_34] : memref<2x16x625x128xf32, #tpu.memory_space<hbm>> -> memref<1x16x625x128xf32, #tpu.memory_space<hbm>>
      %dma_wait3A_36 = tpu.memref_squeeze %dma_wait3A_35 : memref<1x16x625x128xf32, #tpu.memory_space<hbm>> -> memref<16x625x128xf32, #tpu.memory_space<hbm>>
      %dma_wait3A_37 = arith.constant 0 : i32
      %dma_wait3A_38 = arith.constant 0 : i32
      %dma_wait3A_39 = tpu.memref_slice %dma_wait3A_36[%arg1, %dma_wait3A_37, %dma_wait3A_38] : memref<16x625x128xf32, #tpu.memory_space<hbm>> -> memref<1x625x128xf32, #tpu.memory_space<hbm>>
      %dma_wait3A_40 = tpu.memref_squeeze %dma_wait3A_39 : memref<1x625x128xf32, #tpu.memory_space<hbm>> -> memref<625x128xf32, #tpu.memory_space<hbm>>
      %dma_wait3A_41 = arith.constant 0 : i32
      %dma_wait3A_42 = tpu.memref_slice %arg11[%mul3A_20, %dma_wait3A_41] : memref<10000x128xf32, #tpu.memory_space<vmem_shared>> -> memref<625x128xf32, #tpu.memory_space<vmem_shared>>
      tpu.wait_dma2 semaphore(%run_scoped3A : memref<!tpu.dma_semaphore, #tpu.memory_space<semaphore_mem>>) src(%dma_wait3A_42 : memref<625x128xf32, #tpu.memory_space<vmem_shared>>) dst(%dma_wait3A_40 : memref<625x128xf32, #tpu.memory_space<hbm>>)
      tpu.yield
    }) : () -> ()
    return
  }
}

#map = affine_map<(d0, d1) -> (0, 0, 0)>
#map1 = affine_map<(d0, d1) -> (0)>
#map2 = affine_map<(d0, d1) -> (0, 0)>
module attributes {stable_mosaic.version = 14 : i64} {
  func.func @_deg_body(%arg0: i32, %arg1: i32, %arg2: memref<32x80x128xi32, #tpu.memory_space<hbm>>, %arg3: memref<128xf32, #tpu.memory_space<hbm>>, %arg4: memref<10240xf32, #tpu.memory_space<hbm>>, %arg5: memref<2x10240xf32, #tpu.memory_space<hbm>>, %arg6: memref<80x128xi32, #tpu.memory_space<vmem>>, %arg7: memref<128xf32, #tpu.memory_space<vmem>>, %arg8: memref<10240xf32, #tpu.memory_space<vmem_shared>>, %arg9: memref<!tpu.dma_semaphore, #tpu.memory_space<semaphore_mem>>) attributes {dimension_semantics = [#tpu.dimension_semantics<core_parallel>, #tpu.dimension_semantics<subcore_parallel>], iteration_bounds = array<i64: 2, 16>, scalar_prefetch = 0 : i64, scratch_operands = 4 : i64, tpu.core_type = #tpu.core_type<sc_vector_subcore>, window_params = [{transform_indices = #map}, {transform_indices = #map1}, {transform_indices = #map1}, {transform_indices = #map2}]} {
    %mul3A = arith.constant 2 : i32
    %mul3A_0 = arith.muli %arg1, %mul3A : i32
    %add3A = arith.addi %mul3A_0, %arg0 : i32
    %mul3A_1 = arith.constant 640 : i32
    %mul3A_2 = arith.muli %arg1, %mul3A_1 : i32
    %mul3A_3 = arith.constant 640 : i32
    %mul3A_4 = arith.muli %arg1, %mul3A_3 : i32
    "tpu.region"() ({
      %run_scoped3A = tpu.sem_alloc : memref<!tpu.dma_semaphore, #tpu.memory_space<semaphore_mem>>
      %dma_start3A = tpu.memref_slice %arg8[%mul3A_4] : memref<10240xf32, #tpu.memory_space<vmem_shared>> -> memref<640xf32, #tpu.memory_space<vmem_shared>>
      %dma_start3A_21 = tpu.memref_slice %arg4[%mul3A_2] : memref<10240xf32, #tpu.memory_space<hbm>> -> memref<640xf32, #tpu.memory_space<hbm>>
      tpu.enqueue_dma source(%dma_start3A_21 : memref<640xf32, #tpu.memory_space<hbm>>) target(%dma_start3A : memref<640xf32, #tpu.memory_space<vmem_shared>>) target_semaphore(%run_scoped3A : memref<!tpu.dma_semaphore, #tpu.memory_space<semaphore_mem>>)
      %dma_wait3A = tpu.memref_slice %arg8[%mul3A_4] : memref<10240xf32, #tpu.memory_space<vmem_shared>> -> memref<640xf32, #tpu.memory_space<vmem_shared>>
      %dma_wait3A_22 = tpu.memref_slice %arg4[%mul3A_2] : memref<10240xf32, #tpu.memory_space<hbm>> -> memref<640xf32, #tpu.memory_space<hbm>>
      tpu.wait_dma2 semaphore(%run_scoped3A : memref<!tpu.dma_semaphore, #tpu.memory_space<semaphore_mem>>) src(%dma_wait3A_22 : memref<640xf32, #tpu.memory_space<hbm>>) dst(%dma_wait3A : memref<640xf32, #tpu.memory_space<vmem_shared>>)
      tpu.yield
    }) : () -> ()
    "tpu.region"() ({
      %run_scoped3A = tpu.sem_alloc : memref<!tpu.dma_semaphore, #tpu.memory_space<semaphore_mem>>
      %dma_start3A = arith.constant 0 : i32
      %dma_start3A_21 = arith.constant 0 : i32
      %dma_start3A_22 = tpu.memref_slice %arg2[%add3A, %dma_start3A, %dma_start3A_21] : memref<32x80x128xi32, #tpu.memory_space<hbm>> -> memref<1x80x128xi32, #tpu.memory_space<hbm>>
      %dma_start3A_23 = tpu.memref_squeeze %dma_start3A_22 : memref<1x80x128xi32, #tpu.memory_space<hbm>> -> memref<80x128xi32, #tpu.memory_space<hbm>>
      %dma_start3A_24 = arith.constant 0 : i32
      %dma_start3A_25 = arith.constant 0 : i32
      %dma_start3A_26 = tpu.memref_slice %arg2[%add3A, %dma_start3A_24, %dma_start3A_25] : memref<32x80x128xi32, #tpu.memory_space<hbm>> -> memref<1x80x128xi32, #tpu.memory_space<hbm>>
      %dma_start3A_27 = tpu.memref_squeeze %dma_start3A_26 : memref<1x80x128xi32, #tpu.memory_space<hbm>> -> memref<80x128xi32, #tpu.memory_space<hbm>>
      tpu.enqueue_dma source(%dma_start3A_27 : memref<80x128xi32, #tpu.memory_space<hbm>>) target(%arg6 : memref<80x128xi32, #tpu.memory_space<vmem>>) target_semaphore(%run_scoped3A : memref<!tpu.dma_semaphore, #tpu.memory_space<semaphore_mem>>)
      %dma_wait3A = arith.constant 0 : i32
      %dma_wait3A_28 = arith.constant 0 : i32
      %dma_wait3A_29 = tpu.memref_slice %arg2[%add3A, %dma_wait3A, %dma_wait3A_28] : memref<32x80x128xi32, #tpu.memory_space<hbm>> -> memref<1x80x128xi32, #tpu.memory_space<hbm>>
      %dma_wait3A_30 = tpu.memref_squeeze %dma_wait3A_29 : memref<1x80x128xi32, #tpu.memory_space<hbm>> -> memref<80x128xi32, #tpu.memory_space<hbm>>
      %dma_wait3A_31 = arith.constant 0 : i32
      %dma_wait3A_32 = arith.constant 0 : i32
      %dma_wait3A_33 = tpu.memref_slice %arg2[%add3A, %dma_wait3A_31, %dma_wait3A_32] : memref<32x80x128xi32, #tpu.memory_space<hbm>> -> memref<1x80x128xi32, #tpu.memory_space<hbm>>
      %dma_wait3A_34 = tpu.memref_squeeze %dma_wait3A_33 : memref<1x80x128xi32, #tpu.memory_space<hbm>> -> memref<80x128xi32, #tpu.memory_space<hbm>>
      tpu.wait_dma2 semaphore(%run_scoped3A : memref<!tpu.dma_semaphore, #tpu.memory_space<semaphore_mem>>) src(%dma_wait3A_34 : memref<80x128xi32, #tpu.memory_space<hbm>>) dst(%arg6 : memref<80x128xi32, #tpu.memory_space<vmem>>)
      tpu.yield
    }) : () -> ()
    "tpu.region"() ({
      %run_scoped3A = tpu.sem_alloc : memref<!tpu.dma_semaphore, #tpu.memory_space<semaphore_mem>>
      tpu.enqueue_dma source(%arg3 : memref<128xf32, #tpu.memory_space<hbm>>) target(%arg7 : memref<128xf32, #tpu.memory_space<vmem>>) target_semaphore(%run_scoped3A : memref<!tpu.dma_semaphore, #tpu.memory_space<semaphore_mem>>)
      tpu.wait_dma2 semaphore(%run_scoped3A : memref<!tpu.dma_semaphore, #tpu.memory_space<semaphore_mem>>) src(%arg3 : memref<128xf32, #tpu.memory_space<hbm>>) dst(%arg7 : memref<128xf32, #tpu.memory_space<vmem>>)
      tpu.yield
    }) : () -> ()
    %barrier3A = arith.constant 0 : index
    tpu.barrier barrier_id(%barrier3A)
    %scan3A = arith.constant 0 : i32
    %scan3A_5 = arith.constant 0 : i32
    %scan3A_6 = arith.constant 80 : i32
    %scan3A_7 = arith.addi %scan3A_5, %scan3A_6 : i32
    %scan3A_8 = arith.constant 1 : i32
    scf.for %scan3A_21 = %scan3A_5 to %scan3A_7 step %scan3A_8  : i32 {
      %dma_start3A = arith.constant 0 : i32
      %dma_start3A_22 = tpu.memref_slice %arg6[%scan3A_21, %dma_start3A] : memref<80x128xi32, #tpu.memory_space<vmem>> -> memref<1x128xi32, #tpu.memory_space<vmem>>
      %dma_start3A_23 = tpu.memref_squeeze %dma_start3A_22 : memref<1x128xi32, #tpu.memory_space<vmem>> -> memref<128xi32, #tpu.memory_space<vmem>>
      %dma_start3A_24 = arith.constant 0 : i32
      %dma_start3A_25 = tpu.memref_slice %arg8[%dma_start3A_24] : memref<10240xf32, #tpu.memory_space<vmem_shared>> -> memref<10240xf32, #tpu.memory_space<vmem_shared>>
      tpu.enqueue_indirect_dma source(%arg7 : memref<128xf32, #tpu.memory_space<vmem>>) target(%dma_start3A_25 : memref<10240xf32, #tpu.memory_space<vmem_shared>>) offsets(%dma_start3A_23 : memref<128xi32, #tpu.memory_space<vmem>>) semaphore(%arg9 : memref<!tpu.dma_semaphore, #tpu.memory_space<semaphore_mem>>) {add = true}
    }
    %scan3A_9 = arith.constant 80 : i32
    %scan3A_10 = arith.constant 0 : i32
    %scan3A_11 = arith.constant 0 : i32
    %scan3A_12 = arith.constant 80 : i32
    %scan3A_13 = arith.addi %scan3A_11, %scan3A_12 : i32
    %scan3A_14 = arith.constant 1 : i32
    scf.for %scan3A_21 = %scan3A_11 to %scan3A_13 step %scan3A_14  : i32 {
      %dma_wait3A = arith.constant 0 : i32
      %dma_wait3A_22 = tpu.memref_slice %arg6[%scan3A_21, %dma_wait3A] : memref<80x128xi32, #tpu.memory_space<vmem>> -> memref<1x128xi32, #tpu.memory_space<vmem>>
      %dma_wait3A_23 = tpu.memref_squeeze %dma_wait3A_22 : memref<1x128xi32, #tpu.memory_space<vmem>> -> memref<128xi32, #tpu.memory_space<vmem>>
      %dma_wait3A_24 = arith.constant 0 : i32
      %dma_wait3A_25 = tpu.memref_slice %arg8[%dma_wait3A_24] : memref<10240xf32, #tpu.memory_space<vmem_shared>> -> memref<10240xf32, #tpu.memory_space<vmem_shared>>
      tpu.wait_indirect_dma semaphore(%arg9 : memref<!tpu.dma_semaphore, #tpu.memory_space<semaphore_mem>>) src(%arg7 : memref<128xf32, #tpu.memory_space<vmem>>) dst(%dma_wait3A_25 : memref<10240xf32, #tpu.memory_space<vmem_shared>>)
    }
    %scan3A_15 = arith.constant 80 : i32
    %barrier3A_16 = arith.constant 0 : index
    tpu.barrier barrier_id(%barrier3A_16)
    %mul3A_17 = arith.constant 640 : i32
    %mul3A_18 = arith.muli %arg1, %mul3A_17 : i32
    %mul3A_19 = arith.constant 640 : i32
    %mul3A_20 = arith.muli %arg1, %mul3A_19 : i32
    "tpu.region"() ({
      %run_scoped3A = tpu.sem_alloc : memref<!tpu.dma_semaphore, #tpu.memory_space<semaphore_mem>>
      %dma_start3A = arith.constant 0 : i32
      %dma_start3A_21 = tpu.memref_slice %arg5[%arg0, %dma_start3A] : memref<2x10240xf32, #tpu.memory_space<hbm>> -> memref<1x10240xf32, #tpu.memory_space<hbm>>
      %dma_start3A_22 = tpu.memref_squeeze %dma_start3A_21 : memref<1x10240xf32, #tpu.memory_space<hbm>> -> memref<10240xf32, #tpu.memory_space<hbm>>
      %dma_start3A_23 = tpu.memref_slice %dma_start3A_22[%mul3A_20] : memref<10240xf32, #tpu.memory_space<hbm>> -> memref<640xf32, #tpu.memory_space<hbm>>
      %dma_start3A_24 = tpu.memref_slice %arg8[%mul3A_18] : memref<10240xf32, #tpu.memory_space<vmem_shared>> -> memref<640xf32, #tpu.memory_space<vmem_shared>>
      tpu.enqueue_dma source(%dma_start3A_24 : memref<640xf32, #tpu.memory_space<vmem_shared>>) target(%dma_start3A_23 : memref<640xf32, #tpu.memory_space<hbm>>) target_semaphore(%run_scoped3A : memref<!tpu.dma_semaphore, #tpu.memory_space<semaphore_mem>>)
      %dma_wait3A = arith.constant 0 : i32
      %dma_wait3A_25 = tpu.memref_slice %arg5[%arg0, %dma_wait3A] : memref<2x10240xf32, #tpu.memory_space<hbm>> -> memref<1x10240xf32, #tpu.memory_space<hbm>>
      %dma_wait3A_26 = tpu.memref_squeeze %dma_wait3A_25 : memref<1x10240xf32, #tpu.memory_space<hbm>> -> memref<10240xf32, #tpu.memory_space<hbm>>
      %dma_wait3A_27 = tpu.memref_slice %dma_wait3A_26[%mul3A_20] : memref<10240xf32, #tpu.memory_space<hbm>> -> memref<640xf32, #tpu.memory_space<hbm>>
      %dma_wait3A_28 = tpu.memref_slice %arg8[%mul3A_18] : memref<10240xf32, #tpu.memory_space<vmem_shared>> -> memref<640xf32, #tpu.memory_space<vmem_shared>>
      tpu.wait_dma2 semaphore(%run_scoped3A : memref<!tpu.dma_semaphore, #tpu.memory_space<semaphore_mem>>) src(%dma_wait3A_28 : memref<640xf32, #tpu.memory_space<vmem_shared>>) dst(%dma_wait3A_27 : memref<640xf32, #tpu.memory_space<hbm>>)
      tpu.yield
    }) : () -> ()
    return
  }
}

module attributes {stable_mosaic.version = 14 : i64} {
  func.func @_scale_body(%arg0: memref<2x10000x1xf32, #tpu.memory_space<vmem>>, %arg1: memref<10000x128xf32, #tpu.memory_space<vmem>>, %arg2: memref<128x128xf32, #tpu.memory_space<vmem>>, %arg3: memref<10000x128xf32, #tpu.memory_space<vmem>>) attributes {dimension_semantics = [], scalar_prefetch = 0 : i64, scratch_operands = 0 : i64, tpu.core_type = #tpu.core_type<tc>} {
    %iota3A = tpu.iota {dimensions = array<i32: 0>} : vector<10000x1xi32>
    %lt3A = arith.constant 16 : i32
    %lt3A_0 = vector.broadcast %lt3A : i32 to vector<10000x1xi32>
    %lt3A_1 = arith.cmpi slt, %iota3A, %lt3A_0 : vector<10000x1xi32>
    %jit3A = arith.constant 4.800000e+02 : f32
    %jit3A_2 = arith.constant 0.000000e+00 : f32
    %broadcast_in_dim3A = vector.broadcast %jit3A : f32 to vector<10000x1xf32>
    %broadcast_in_dim3A_3 = vector.broadcast %jit3A_2 : f32 to vector<10000x1xf32>
    %select_n3A = arith.select %lt3A_1, %broadcast_in_dim3A, %broadcast_in_dim3A_3 : vector<10000x1xi1>, vector<10000x1xf32>
    %get3A = arith.constant 0 : index
    %get3A_4 = arith.constant 0 : index
    %get3A_5 = arith.constant 0 : index
    %get3A_6 = vector.load %arg0[%get3A, %get3A_4, %get3A_5] : memref<2x10000x1xf32, #tpu.memory_space<vmem>>, vector<1x10000x1xf32>
    %get3A_7 = vector.shape_cast %get3A_6 : vector<1x10000x1xf32> to vector<10000x1xf32>
    %get3A_8 = arith.constant 1 : index
    %get3A_9 = arith.constant 0 : index
    %get3A_10 = arith.constant 0 : index
    %get3A_11 = vector.load %arg0[%get3A_8, %get3A_9, %get3A_10] : memref<2x10000x1xf32, #tpu.memory_space<vmem>>, vector<1x10000x1xf32>
    %get3A_12 = vector.shape_cast %get3A_11 : vector<1x10000x1xf32> to vector<10000x1xf32>
    %add3A = arith.addf %get3A_7, %get3A_12 : vector<10000x1xf32>
    %add3A_13 = arith.constant 1.000000e+00 : f32
    %add3A_14 = vector.broadcast %add3A_13 : f32 to vector<10000x1xf32>
    %add3A_15 = arith.addf %add3A, %add3A_14 : vector<10000x1xf32>
    %sub3A = arith.subf %add3A_15, %select_n3A : vector<10000x1xf32>
    %rsqrt3A = math.rsqrt %sub3A : vector<10000x1xf32>
    %get3A_16 = arith.constant 0 : index
    %get3A_17 = arith.constant 0 : index
    %get3A_18 = vector.load %arg1[%get3A_16, %get3A_17] : memref<10000x128xf32, #tpu.memory_space<vmem>>, vector<10000x128xf32>
    %get3A_19 = arith.constant 0 : index
    %get3A_20 = arith.constant 0 : index
    %get3A_21 = vector.load %arg2[%get3A_19, %get3A_20] : memref<128x128xf32, #tpu.memory_space<vmem>>, vector<128x128xf32>
    %dot_general3A = arith.constant dense<0.000000e+00> : vector<10000x128xf32>
    %dot_general3A_22 = tpu.matmul %get3A_18, %get3A_21, %dot_general3A {dimension_numbers = #tpu.dot_dimension_numbers<[1], [0], [0], [1], [0, 0, 1, 1], [], []>, transpose_lhs_hint = false} : vector<10000x128xf32>, vector<128x128xf32>, vector<10000x128xf32> -> vector<10000x128xf32>
    %mul3A = vector.broadcast %rsqrt3A : vector<10000x1xf32> to vector<10000x128xf32>
    %mul3A_23 = arith.mulf %dot_general3A_22, %mul3A : vector<10000x128xf32>
    %swap3A = arith.constant 0 : index
    %swap3A_24 = arith.constant 0 : index
    %swap3A_25 = vector.load %arg3[%swap3A, %swap3A_24] : memref<10000x128xf32, #tpu.memory_space<vmem>>, vector<10000x128xf32>
    tpu.vector_store %arg3[%swap3A, %swap3A_24], %mul3A_23 {strides = array<i32>} : memref<10000x128xf32, #tpu.memory_space<vmem>>, vector<10000x128xf32>,
    return
  }
}

module attributes {stable_mosaic.version = 14 : i64} {
  func.func @_out_body(%arg0: memref<2x10000x128xf32, #tpu.memory_space<vmem>>, %arg1: memref<10000x128xf32, #tpu.memory_space<vmem>>, %arg2: memref<2x10000x1xf32, #tpu.memory_space<vmem>>, %arg3: memref<1x128xf32, #tpu.memory_space<vmem>>, %arg4: memref<10000x128xf32, #tpu.memory_space<vmem>>) attributes {dimension_semantics = [], scalar_prefetch = 0 : i64, scratch_operands = 0 : i64, tpu.core_type = #tpu.core_type<tc>} {
    %iota3A = tpu.iota {dimensions = array<i32: 0>} : vector<10000x1xi32>
    %lt3A = arith.constant 16 : i32
    %lt3A_0 = vector.broadcast %lt3A : i32 to vector<10000x1xi32>
    %lt3A_1 = arith.cmpi slt, %iota3A, %lt3A_0 : vector<10000x1xi32>
    %jit3A = arith.constant 4.800000e+02 : f32
    %jit3A_2 = arith.constant 0.000000e+00 : f32
    %broadcast_in_dim3A = vector.broadcast %jit3A : f32 to vector<10000x1xf32>
    %broadcast_in_dim3A_3 = vector.broadcast %jit3A_2 : f32 to vector<10000x1xf32>
    %select_n3A = arith.select %lt3A_1, %broadcast_in_dim3A, %broadcast_in_dim3A_3 : vector<10000x1xi1>, vector<10000x1xf32>
    %get3A = arith.constant 0 : index
    %get3A_4 = arith.constant 0 : index
    %get3A_5 = arith.constant 0 : index
    %get3A_6 = vector.load %arg2[%get3A, %get3A_4, %get3A_5] : memref<2x10000x1xf32, #tpu.memory_space<vmem>>, vector<1x10000x1xf32>
    %get3A_7 = vector.shape_cast %get3A_6 : vector<1x10000x1xf32> to vector<10000x1xf32>
    %get3A_8 = arith.constant 1 : index
    %get3A_9 = arith.constant 0 : index
    %get3A_10 = arith.constant 0 : index
    %get3A_11 = vector.load %arg2[%get3A_8, %get3A_9, %get3A_10] : memref<2x10000x1xf32, #tpu.memory_space<vmem>>, vector<1x10000x1xf32>
    %get3A_12 = vector.shape_cast %get3A_11 : vector<1x10000x1xf32> to vector<10000x1xf32>
    %add3A = arith.addf %get3A_7, %get3A_12 : vector<10000x1xf32>
    %add3A_13 = arith.constant 1.000000e+00 : f32
    %add3A_14 = vector.broadcast %add3A_13 : f32 to vector<10000x1xf32>
    %add3A_15 = arith.addf %add3A, %add3A_14 : vector<10000x1xf32>
    %sub3A = arith.subf %add3A_15, %select_n3A : vector<10000x1xf32>
    %rsqrt3A = math.rsqrt %sub3A : vector<10000x1xf32>
    %lt3A_16 = arith.constant 16 : i32
    %lt3A_17 = vector.broadcast %lt3A_16 : i32 to vector<10000x1xi32>
    %lt3A_18 = arith.cmpi slt, %iota3A, %lt3A_17 : vector<10000x1xi32>
    %jit3A_19 = arith.constant -4.790000e+02 : f32
    %jit3A_20 = arith.constant 1.000000e+00 : f32
    %broadcast_in_dim3A_21 = vector.broadcast %jit3A_19 : f32 to vector<10000x1xf32>
    %broadcast_in_dim3A_22 = vector.broadcast %jit3A_20 : f32 to vector<10000x1xf32>
    %select_n3A_23 = arith.select %lt3A_18, %broadcast_in_dim3A_21, %broadcast_in_dim3A_22 : vector<10000x1xi1>, vector<10000x1xf32>
    %get3A_24 = arith.constant 0 : index
    %get3A_25 = arith.constant 0 : index
    %get3A_26 = arith.constant 0 : index
    %get3A_27 = vector.load %arg0[%get3A_24, %get3A_25, %get3A_26] : memref<2x10000x128xf32, #tpu.memory_space<vmem>>, vector<1x10000x128xf32>
    %get3A_28 = vector.shape_cast %get3A_27 : vector<1x10000x128xf32> to vector<10000x128xf32>
    %get3A_29 = arith.constant 1 : index
    %get3A_30 = arith.constant 0 : index
    %get3A_31 = arith.constant 0 : index
    %get3A_32 = vector.load %arg0[%get3A_29, %get3A_30, %get3A_31] : memref<2x10000x128xf32, #tpu.memory_space<vmem>>, vector<1x10000x128xf32>
    %get3A_33 = vector.shape_cast %get3A_32 : vector<1x10000x128xf32> to vector<10000x128xf32>
    %add3A_34 = arith.addf %get3A_28, %get3A_33 : vector<10000x128xf32>
    %get3A_35 = arith.constant 0 : index
    %get3A_36 = arith.constant 0 : index
    %get3A_37 = vector.load %arg1[%get3A_35, %get3A_36] : memref<10000x128xf32, #tpu.memory_space<vmem>>, vector<10000x128xf32>
    %mul3A = vector.broadcast %select_n3A_23 : vector<10000x1xf32> to vector<10000x128xf32>
    %mul3A_38 = arith.mulf %mul3A, %get3A_37 : vector<10000x128xf32>
    %add3A_39 = arith.addf %add3A_34, %mul3A_38 : vector<10000x128xf32>
    %mul3A_40 = vector.broadcast %rsqrt3A : vector<10000x1xf32> to vector<10000x128xf32>
    %mul3A_41 = arith.mulf %add3A_39, %mul3A_40 : vector<10000x128xf32>
    %get3A_42 = arith.constant 0 : index
    %get3A_43 = arith.constant 0 : index
    %get3A_44 = vector.load %arg3[%get3A_42, %get3A_43] : memref<1x128xf32, #tpu.memory_space<vmem>>, vector<1x128xf32>
    %add3A_45 = vector.broadcast %get3A_44 : vector<1x128xf32> to vector<10000x128xf32>
    %add3A_46 = arith.addf %mul3A_41, %add3A_45 : vector<10000x128xf32>
    %swap3A = arith.constant 0 : index
    %swap3A_47 = arith.constant 0 : index
    %swap3A_48 = vector.load %arg4[%swap3A, %swap3A_47] : memref<10000x128xf32, #tpu.memory_space<vmem>>, vector<10000x128xf32>
    tpu.vector_store %arg4[%swap3A, %swap3A_47], %add3A_46 {strides = array<i32>} : memref<10000x128xf32, #tpu.memory_space<vmem>>, vector<10000x128xf32>,
    return
  }
}

</mosaic_0001>

<sc_bundles>
// kernel: kernel.6.cloned.1.call-start
scs
__scs_entry_jumppad:
0x0: {  	(pc) =	sbr.rel $0x88, $3  }
0x1: {  	(tag) =	ssettag $0x0;
	lr =	simm.s32 $0x1  }
0x2: {  	[smem:$0x3F9D] =	sst lr;
	_ =	strace $0xD0000000  }
0x3: {  	_ = 	snop  }
0x4: {  	_ = 	snop  }
0x5: {  	_ = 	snop  }
0x6: {  	_ = 	snop  }
0x7: {  	_ = 	snop  }
__scs_overlays_trampoline_lowered:
0x8: {  	[smem:$0x3FAC] =	sst s0  }
0x9: {  	[smem:$0x3FAD] =	sst s1  }
0xa: {  	[smem:$0x3FAE] =	sst s2  }
0xb: {  	[smem:$0x3FAF] =	sst s3  }
0xc: {  	[smem:$0x3FB0] =	sst s4  }
0xd: {  	[smem:$0x3FB1] =	sst s5  }
0xe: {  	[smem:$0x3FB2] =	sst s6  }
0xf: {  	[smem:$0x3FB3] =	sst s7  }
0x10: {  	[smem:$0x3FB4] =	sst s8  }
0x11: {  	[smem:$0x3FB5] =	sst s9;
	s0 =	simm.s32 @!p0 $0x0  }
0x12: {  	s1 =	sld [smem:$0x3F9B];
	s0 =	simm.s32 @p0 $0x1  }
0x13: {  	[smem:$0x3FB6] =	sst s0;
	s0 =	simm.s32 @!p1 $0x0  }
0x14: {  	s2 =	sld [smem:$0x3F9A];
	s0 =	simm.s32 @p1 $0x1  }
0x15: {  	[smem:$0x3FB7] =	sst s0;
	s0 =	simm.s32 @!p2 $0x0  }
0x16: {  	s3 =	sld [smem:$0x3FDB];
	s0 =	simm.s32 @p2 $0x1  }
0x17: {  	s4 =	simm.s32 $0x1BF5;
	[smem:$0x3FB9] =	sst s0  }
0x18: {  	s0 =	sld [smem:$0x3F9C];
	_ =	swait.ge [sflag:s4], $0x0  }
0x19: {  	s7 =	sld [smem:$0x3F9D]  }
0x1a: {  	s8 =	sadd.s32 $0xFFFFE003, lr  }
0x1b: {  	s9 =	sadd.s32 $0xFFFFFEF7, lr;
	s5 =	simm.s32 $0xFFFFFFFF;
	p2 =	slt.u32 s8, $0xFFFFF086  }
0x1c: {  	p1 =	slt.u32 s9, $0xF7A;
	s5 =	simm.s32 @!p2 $0x0  }
0x1d: {  	s5 =	simm.s32 @p1 $0x1;
	p0 =	seq.s32 s7, s2  }
0x1e: {  	s7 =	smul.u32 @!p0 $0xF7A, s2;
	p2 =	seq.s32 @!p0 s5, $0x0  }
0x1f: {  	s9 =	smul.u32 $0xF7A, s1;
	s8 =	simm.s32 @!p0 $0x1BF5;
	p2 =	por !p2, p0  }
0x20: {  	[sflag:s8] =	ssyncset.s32 @!p0 $0xFFFFF086;
	s6 =	sadd.s32 @!p0 s3, s7;
	s7 =	simm.s32 @!p0 $0x108  }
0x21: {  	s3 =	sadd.s32 s3, s9;
	s6 =	sadd.s32 @!p0 $0x88, s6;
	s7 =	simm.s32 @p2 $0x1082  }
0x22: {  	[simem:s7], [sflag:s8] =	dma.local @!p0 [hbm:s6], $0xF7A  }
0x23: {  	s9 =	sor.u32 $0xD0000000, s2;
	s6 =	simm.s32 $0x108;
	_ =	swait.ge @!p0 [sflag:s8], $0x0  }
0x24: {  	s3 =	sadd.s32 $0x88, s3;
	s6 =	simm.s32 @!p1 $0x1082;
	[sflag:s4] =	ssyncset.s32 $0xFFFFF086  }
0x25: {  	[simem:s6], [sflag:s4] =	dma.local [hbm:s3], $0xF7A  }
0x26: {  	[smem:$0x3F9D] =	sst s1;
	(tag) =	ssettag s2;
	_ =	strace s9  }
0x27: {  	s1 =	sld [smem:$0x3FAD]  }
0x28: {  	s2 =	sld [smem:$0x3FAE]  }
0x29: {  	s4 =	sld [smem:$0x3FB0]  }
0x2a: {  	p0 =	seq.s32 s5, $0x0;
	s5 =	sld [smem:$0x3FB1]  }
0x2b: {  	s6 =	sld [smem:$0x3FB2]  }
0x2c: {  	s7 =	sld [smem:$0x3FB3]  }
0x2d: {  	s3 =	simm.s32 $0x108;
	s8 =	sld [smem:$0x3FB4]  }
0x2e: {  	s3 =	simm.s32 @!p0 $0x1082;
	s9 =	sld [smem:$0x3FB5]  }
0x2f: {  	lr =	sadd.s32 s0, s3;
	s0 =	sld [smem:$0x3FAC]  }
0x30: {  	s3 =	sld [smem:$0x3FAF]  }
0x31: {  	[smem:$0x3FB8] =	sst s10  }
0x32: {  	s10 =	sld [smem:$0x3FB6];
	_ =	sdelay $0x3  }
0x33: {  	p0 =	seq.s32 s10, $0x1;
	s10 =	sld [smem:$0x3FB8];
	_ =	sdelay $0x3  }
0x34: {  	[smem:$0x3FB8] =	sst s10  }
0x35: {  	s10 =	sld [smem:$0x3FB7];
	_ =	sdelay $0x3  }
0x36: {  	p1 =	seq.s32 s10, $0x1;
	s10 =	sld [smem:$0x3FB8];
	_ =	sdelay $0x3  }
0x37: {  	[smem:$0x3FB8] =	sst s10  }
0x38: {  	s10 =	sld [smem:$0x3FB9]  }
0x39: {  	_ = 	snop;
	(pc) =	sbr.ind lr, $3  }
0x3a: {  	_ = 	snop  }
0x3b: {  	_ = 	snop  }
0x3c: {  	p2 =	seq.s32 s10, $0x1;
	s10 =	sld [smem:$0x3FB8]  }
0x3d: {  	_ =	shalt  }
0x3e: {  	_ =	shalt  }
0x3f: {  	_ =	shalt  }
0x40: {  	_ =	shalt  }
0x41: {  	_ =	shalt  }
0x42: {  	_ =	shalt  }
0x43: {  	_ =	shalt  }
0x44: {  	_ =	shalt  }
0x45: {  	_ =	shalt  }
0x46: {  	_ =	shalt  }
0x47: {  	_ =	shalt  }
0x48: {  	_ =	shalt  }
0x49: {  	_ =	shalt  }
0x4a: {  	_ =	shalt  }
0x4b: {  	_ =	shalt  }
0x4c: {  	_ =	shalt  }
0x4d: {  	_ =	shalt  }
0x4e: {  	_ =	shalt  }
0x4f: {  	_ =	shalt  }
0x50: {  	_ =	shalt  }
0x51: {  	_ =	shalt  }
0x52: {  	_ =	shalt  }
0x53: {  	_ =	shalt  }
0x54: {  	_ =	shalt  }
0x55: {  	_ =	shalt  }
0x56: {  	_ =	shalt  }
0x57: {  	_ =	shalt  }
0x58: {  	_ =	shalt  }
0x59: {  	_ =	shalt  }
0x5a: {  	_ =	shalt  }
0x5b: {  	_ =	shalt  }
0x5c: {  	_ =	shalt  }
0x5d: {  	_ =	shalt  }
0x5e: {  	_ =	shalt  }
0x5f: {  	_ =	shalt  }
0x60: {  	_ =	shalt  }
0x61: {  	_ =	shalt  }
0x62: {  	_ =	shalt  }
0x63: {  	_ =	shalt  }
0x64: {  	_ =	shalt  }
0x65: {  	_ =	shalt  }
0x66: {  	_ =	shalt  }
0x67: {  	_ =	shalt  }
0x68: {  	_ =	shalt  }
0x69: {  	_ =	shalt  }
0x6a: {  	_ =	shalt  }
0x6b: {  	_ =	shalt  }
0x6c: {  	_ =	shalt  }
0x6d: {  	_ =	shalt  }
0x6e: {  	_ =	shalt  }
0x6f: {  	_ =	shalt  }
0x70: {  	_ =	shalt  }
0x71: {  	_ =	shalt  }
0x72: {  	_ =	shalt  }
0x73: {  	_ =	shalt  }
0x74: {  	_ =	shalt  }
0x75: {  	_ =	shalt  }
0x76: {  	_ =	shalt  }
0x77: {  	_ =	shalt  }
0x78: {  	_ =	shalt  }
0x79: {  	_ =	shalt  }
0x7a: {  	_ =	shalt  }
0x7b: {  	_ =	shalt  }
0x7c: {  	_ =	shalt  }
0x7d: {  	_ =	shalt  }
0x7e: {  	_ =	shalt  }
0x7f: {  	_ =	shalt  }
0x80: {  	_ =	shalt  }
0x81: {  	_ =	shalt  }
0x82: {  	_ =	shalt  }
0x83: {  	_ =	shalt  }
0x84: {  	_ =	shalt  }
0x85: {  	_ =	shalt  }
0x86: {  	_ =	shalt  }
0x87: {  	_ =	shalt  }
.Lfunc_end0:
.L_simem_size_0:
called_computation_lowered:
.L_overlay_start_0:
0x88: {  	s2 =	sld [smem:$0x3FD9]  }
0x89: {  	s3 =	sld [smem:$0x3FFE];
	_ =	sdelay $0x1  }
0x8a: {  	s1 =	srdreg.scid  }
0x8b: {  	s0 =	sand.u32 $0x1, s1  }
0x8c: {  	s17 =	sshll.u32 s0, $0xA;
	s2 =	sadd.s32 s3, s2  }
0x8d: {  	s2 =	sadd.s32 s2, s17  }
0x8e: {  	[smem:$0x3FC4] =	sst s2  }
0x8f: {  	_ = 	snop  }
0x90: {  	s2 =	sld [smem:$0x3FD0];
	(tm) =	ssettm $0x1  }
0x91: {  	s18 =	sld [smem:$0x3FFB];
	_ =	sdelay $0x3  }
0x92: {  	_ =	strace s18  }
0x93: {  	s3 =	sld [smem:$0x3FFC];
	_ =	sdelay $0x3  }
0x94: {  	_ =	strace s3  }
0x95: {  	s3 =	sld [smem:$0x3FFD];
	_ =	sdelay $0x3  }
0x96: {  	_ =	strace s3  }
0x97: {  	_ =	strace $0x8FFFFFFF  }
0x98: {  	s19 =	sld [smem:$0x3FDB];
	_ =	sdelay $0x1  }
0x99: {  	s4 =	simm.s32 $_scs_section_size  }
0x9a: {  	s5 =	simm.s32 $_size__tile_overlayer_lowered;
	s6 =	simm.s32 $_tile_overlayer_lowered  }
0x9b: {  	s22 =	simm.s32 $0x1BFF;
	s21 =	sshll.u32 s6, $0x1;
	s3 =	sadd.s32 s4, s19  }
0x9c: {  	s7 =	simm.s32 $0x0;
	s20 =	sshll.u32 s5, $0x1;
	s5 =	sadd.s32 s21, s3  }
0x9d: {  	[timem:s7], [sflag:s22] =	dma.local [hbm:s5], s20  }
0x9e: {  	_ =	swait.ge [sflag:s22], s20  }
0x9f: {  	s4 =	ssub.s32 $0x0, s20;
	[sflag:s22] =	ssyncset.done $0x0  }
0xa0: {  	[sflag:s22] =	ssyncadd.s32 s4;
	_ =	sdelay $0x1  }
0xa1: {  	s23 =	simm.s32 $0x1B8B  }
0xa2: {  	_ =	swait.ge [sflag:s23], $0x1  }
0xa3: {  	[sflag:s23] =	ssyncset.done $0x0  }
0xa4: {  	s25 =	simm.s32 $0x1B8E;
	s24 =	sld [smem:$0x3FFE];
	[sflag:s23] =	ssyncadd.s32 $0xFFFFFFFF  }
0xa5: {  	s26 =	simm.s32 $execute0_lowered;
	[smem:$0x3FD2] =	sst s25  }
0xa6: {  	s5 =	sshll.u32 s26, $0x1;
	_ =	strace $0x80000046;
	[dreg:$0x1] =	wrdreg $0xFFFFFFFF  }
0xa7: {  	s28 =	simm.s32 $_size_execute0_lowered;
	s3 =	sadd.s32 s3, s5;
	[dreg:$0x0] =	wrdreg $0x0  }
0xa8: {  	s5 =	sshll.u32 s28, $0x1;
	[dreg:$0x2] =	wrdreg s3  }
0xa9: {  	[dreg:$0x3] =	wrdreg s5  }
0xaa: {  	[dreg:$0x4] =	wrdreg $0xC0  }
0xab: {  	_ =	task [dreg:s7], $0x5FFFF  }
0xac: {  	[dreg:$0x1] =	wrdreg $0xFFFFFFFF  }
0xad: {  	[dreg:$0x0] =	wrdreg $0x60  }
0xae: {  	[dreg:$0x2] =	wrdreg s24  }
0xaf: {  	[dreg:$0x3] =	wrdreg s2  }
0xb0: {  	[dreg:$0x4] =	wrdreg $0x28800  }
0xb1: {  	[dreg:$0x5] =	wrdreg $0x9  }
0xb2: {  	_ =	task.clear_ibuf [dreg:s7], $0x6FFFF;
	_ =	strace $0x90000046  }
0xb3: {  	s29 =	simm.s32 $0x9;
	_ =	strace $0x80000048  }
0xb4: {  	_ =	swait.ge [sflag:s29], $0x1  }
0xb5: {  	[sflag:s29] =	ssyncadd.s32 $0xFFFFFFFF  }
0xb6: {  	_ =	strace $0x90000048  }
0xb7: {  	_ =	sfence  }
0xb8: {  	s30 =	sld [smem:$0x0];
	_ =	sdelay $0x2  }
0xb9: {  	s31 =	sshll.u32 s1, $0xD;
	s1 =	sshrl.u32 s1, $0x2  }
0xba: {  	s3 =	sand.u32 $0x4000, s31;
	s1 =	sadd.s32 s1, s30  }
0xbb: {  	s0 =	sor.u32 s3, s0;
	s1 =	sshll.u32 s1, $0x11  }
0xbc: {  	s0 =	sor.u32 s1, s0  }
0xbd: {  	s0 =	sadd.s32 $0x8F2B, s0  }
0xbe: {  	[sflag:s0] =	ssyncadd.remote.s32 $0x1  }
0xbf: {  	_ =	sfence.sel $0xFFFF  }
0xc0: {  	[dreg:$0x0] =	wrdreg $0xFFFFFFFF;
	(pc) =	sbr.abs _section_cstart, $3  }
0xc1: {  	[dreg:$0x1] =	wrdreg $0xFFFFFFFF  }
0xc2: {  	_ =	task.clear_ibuf [dreg:s7], $0x2FFFF;
	_ =	strace $0x9FFFFFFF  }
0xc3: {  	(tm) =	ssettm $0x7FFFFFFF  }
tec
execute0_lowered:
.L_overlay_start_1:
0x0: {  	(tag) =	ssettag $0x1  }
0x1: {  	s5 =	rddreg [dreg:$0x0]  }
0x2: {  	s1 =	srdreg.scid;
	s8 =	rddreg [dreg:$0x1]  }
0x3: {  	s0 =	stileid.u32;
	s2 =	rddreg [dreg:$0x2];
	s3 =	simm.s32 $0x0  }
0x4: {  	s13 =	simm.s32 $0x1;
	s16 =	simm.s32 $0x10;
	s17 =	simm.s32 $0x0  }
0x5: {  	s9 =	sand.u32 $0x1, s1;
	s28 =	sshll.u32 s0, $0x1;
	s1 =	rddreg [dreg:$0x3]  }
0x6: {  	[smem:$0x7FF] =	sst s3;
	s6 =	smul.u32 $0x280, s0;
	s31 =	sshll.u32 s0, $0x6  }
0x7: {  	s15 =	smul.u32 $0xA0, s0;
	s4 =	sor.u32 s9, s28;
	_ =	strace $0x80000047  }
0x8: {  	s7 =	ssub.s32 $0x2, s9;
	s9 =	sshll.u32 s9, $0x4;
	s4 =	smul.u32 $0x500, s4  }
0x9: {  	s11 =	sshrl.u32 s6, $0x3;
	s12 =	sshrl.u32 s7, $0x1;
	s30 =	sadd.s32 s6, s2  }
0xa: {  	s6 =	sor.u32 $0x1C02, s31;
	s14 =	sadd.s32 s8, s9;
	s29 =	ssub.s32 s7, s12  }
0xb: {  	s9 =	sshrl.u32 s30, $0x3;
	s12 =	simm.s32 $0x80;
	s14 =	sadd.s32 s15, s14  }
0xc: {  	s15 =	simm.s32 $0x20;
	s10 =	sadd.s32 s4, s5;
	s4 =	sadd.s32 $0x15400, s5  }
0xd: {  	s5 =	sadd.s32 s11, s5;
	s8 =	smax.u32 s29, $0x1;
	s11 =	simm.s32 $0x2800  }
0xe: {  	s5 =	sadd.s32 $0x15600, s5;
	s7 =	sadd.s32 $0xB400, s10;
	s10 =	simm.s32 $0x2  }
.LBB2_1:
0xf: {  	[spmem:s9], [sflag:s6] =	dma.local [hbm:s5], $0x50  }
0x10: {  	_ =	swait.ge [sflag:s10], $0x50  }
0x11: {  	[sflag:s10] =	ssyncset.done $0x0  }
0x12: {  	[sflag:s10] =	ssyncadd.s32 $0xFFFFFFB0  }
0x13: {  	[tilespmem:s3], [sflag:$0x2] =	stream.linear.gather [hbm4b:s7+s3], $0x2800, $0x38;
	[tilespmem:$0x2B00] =	vst v63  }
0x14: {  	_ =	swait.ge [sflag:s10], $0x2800  }
0x15: {  	[sflag:s10] =	ssyncset.done $0x0  }
0x16: {  	[sflag:s10] =	ssyncadd.s32 $0xFFFFD800  }
0x17: {  	[tilespmem:s11], [sflag:$0x2] =	stream.linear.gather [hbm4b:s4+s3], $0x80, $0x38;
	[tilespmem:$0x2B00] =	vst v63  }
0x18: {  	_ =	swait.ge [sflag:s10], $0x80  }
0x19: {  	[sflag:s10] =	ssyncset.done $0x0  }
0x1a: {  	[sflag:s10] =	ssyncadd.s32 $0xFFFFFF80  }
0x1b: {  	s18 =	simm.s32 $0x0;
	[bflag:$0x0] =	sbarrier.arrive $0xFFFF  }
.LBB2_2:
0x1c: {  	p0 =	sne.s32 s18, $0x9E00  }
.Ltmp0:
0x1d: {  	_ = 	snop;
	(pc) =	sbr.rel @p0 .LBB2_2-.Ltmp0, $3  }
0x1e: {  	_ =	sdelay $0x1  }
0x1f: {  	s19 =	sshra.s32 s18, $0x2;
	s18 =	sadd.s32 $0x200, s18  }
0x20: {  	[spmem:s2] =	stream.indirect.scatter.add.f32 [tilespmem:s11], [sflag:$0x1], $0x1, s19, s12, $0xb8;
	[tilespmem:$0x2B00] =	vst v63  }
0x21: {  	_ =	swait.ge [sflag:s13], $0x80  }
0x22: {  	s18 =	simm.s32 $0x4F;
	[sflag:s13] =	ssyncset.done $0x0  }
.LBB2_4:
0x23: {  	p0 =	sne.s32 s18, $0x1;
	s18 =	sadd.s32 $0xFFFFFFFF, s18;
	[sflag:s13] =	ssyncadd.s32 $0xFFFFFF80  }
.Ltmp1:
0x24: {  	(pc) =	sbr.rel @p0 .LBB2_4-.Ltmp1, $3  }
0x25: {  	_ =	sdelay $0x1  }
0x26: {  	_ =	swait.ge [sflag:s13], $0x80  }
0x27: {  	[sflag:s13] =	ssyncset.done $0x0  }
0x28: {  	s17 =	sadd.s32 $0x1, s17  }
0x29: {  	[sflag:s13] =	ssyncadd.s32 $0xFFFFFF80;
	p0 =	sne.s32 s17, s8  }
.Ltmp2:
0x2a: {  	[bflag:$0x0] =	sbarrier.arrive $0xFFFF;
	(pc) =	sbr.rel @p0 .LBB2_1-.Ltmp2, $4  }
0x2b: {  	[hbm:s14@s15], [sflag:s6] =	dma.strided [spmem:s9@s16], $0x50, s13, $0x10   }
0x2c: {  	_ =	swait.ge [sflag:s10], $0x50  }
0x2d: {  	[sflag:s10] =	ssyncset.done $0x0  }
0x2e: {  	[sflag:s10] =	ssyncadd.s32 $0xFFFFFFB0  }
0x2f: {  	_ =	sfence.sel $0x180000  }
0x30: {  	[bflag:$0x0] =	sbarrier.arrive $0xFFFF  }
0x31: {  	p0 =	sne.s32 s0, $0x0;
	_ =	strace $0x90000047  }
0x32: {  	s0 =	sadd.s32 @!p0 $0x100000, s1;
	[bflag:$0x2] =	sbarrier.arrive $0xFFFF  }
0x33: {  	[sflag:s0] =	ssyncadd.tile.s32 @!p0 $0x1;
	_ =	shalt  }
.Lfunc_end2:
_tile_overlayer_lowered:
.L_overlay_start_2:
0x34: {  	(tag) =	ssettag $0x2  }
0x35: {  	s0 =	rddreg [dreg:$0x0];
	s2 =	stileid.u32  }
0x36: {  	s1 =	rddreg [dreg:$0x1];
	p0 =	sne.s32 s2, $0x0  }
0x37: {  	s3 =	rddreg [dreg:$0x2];
	[bflag:$0x3] =	sbarrier.arrive $0xFFFF;
	s2 =	simm.s32 @!p0 $0x1C02  }
0x38: {  	[timem:s3], [sflag:s2] =	dma.local @!p0 [hbm:s0], s1  }
0x39: {  	s0 =	simm.s32 @!p0 $0x2  }
0x3a: {  	_ =	swait.ge @!p0 [sflag:s0], s1  }
0x3b: {  	s1 =	ssub.s32 @!p0 $0x0, s1;
	[sflag:s0] =	ssyncset.done @!p0 $0x0  }
0x3c: {  	[sflag:s0] =	ssyncadd.s32 @!p0 s1  }
0x3d: {  	[bflag:$0x3] =	sbarrier.arrive $0xFFFF  }
0x3e: {  	_ =	shalt  }

// kernel: kernel.9.cloned.1.call-start
scs
__scs_entry_jumppad:
0x0: {  	(pc) =	sbr.rel $0x88, $3  }
0x1: {  	(tag) =	ssettag $0x0;
	lr =	simm.s32 $0x1  }
0x2: {  	[smem:$0x3F9D] =	sst lr;
	_ =	strace $0xD0000000  }
0x3: {  	_ = 	snop  }
0x4: {  	_ = 	snop  }
0x5: {  	_ = 	snop  }
0x6: {  	_ = 	snop  }
0x7: {  	_ = 	snop  }
__scs_overlays_trampoline_lowered:
0x8: {  	[smem:$0x3FAC] =	sst s0  }
0x9: {  	[smem:$0x3FAD] =	sst s1  }
0xa: {  	[smem:$0x3FAE] =	sst s2  }
0xb: {  	[smem:$0x3FAF] =	sst s3  }
0xc: {  	[smem:$0x3FB0] =	sst s4  }
0xd: {  	[smem:$0x3FB1] =	sst s5  }
0xe: {  	[smem:$0x3FB2] =	sst s6  }
0xf: {  	[smem:$0x3FB3] =	sst s7  }
0x10: {  	[smem:$0x3FB4] =	sst s8  }
0x11: {  	[smem:$0x3FB5] =	sst s9;
	s0 =	simm.s32 @!p0 $0x0  }
0x12: {  	s1 =	sld [smem:$0x3F9B];
	s0 =	simm.s32 @p0 $0x1  }
0x13: {  	[smem:$0x3FB6] =	sst s0;
	s0 =	simm.s32 @!p1 $0x0  }
0x14: {  	s2 =	sld [smem:$0x3F9A];
	s0 =	simm.s32 @p1 $0x1  }
0x15: {  	[smem:$0x3FB7] =	sst s0;
	s0 =	simm.s32 @!p2 $0x0  }
0x16: {  	s3 =	sld [smem:$0x3FDB];
	s0 =	simm.s32 @p2 $0x1  }
0x17: {  	s4 =	simm.s32 $0x1BF5;
	[smem:$0x3FB9] =	sst s0  }
0x18: {  	s0 =	sld [smem:$0x3F9C];
	_ =	swait.ge [sflag:s4], $0x0  }
0x19: {  	s7 =	sld [smem:$0x3F9D]  }
0x1a: {  	s8 =	sadd.s32 $0xFFFFE003, lr  }
0x1b: {  	s9 =	sadd.s32 $0xFFFFFEF7, lr;
	s5 =	simm.s32 $0xFFFFFFFF;
	p2 =	slt.u32 s8, $0xFFFFF086  }
0x1c: {  	p1 =	slt.u32 s9, $0xF7A;
	s5 =	simm.s32 @!p2 $0x0  }
0x1d: {  	s5 =	simm.s32 @p1 $0x1;
	p0 =	seq.s32 s7, s2  }
0x1e: {  	s7 =	smul.u32 @!p0 $0xF7A, s2;
	p2 =	seq.s32 @!p0 s5, $0x0  }
0x1f: {  	s9 =	smul.u32 $0xF7A, s1;
	s8 =	simm.s32 @!p0 $0x1BF5;
	p2 =	por !p2, p0  }
0x20: {  	[sflag:s8] =	ssyncset.s32 @!p0 $0xFFFFF086;
	s6 =	sadd.s32 @!p0 s3, s7;
	s7 =	simm.s32 @!p0 $0x108  }
0x21: {  	s3 =	sadd.s32 s3, s9;
	s6 =	sadd.s32 @!p0 $0x88, s6;
	s7 =	simm.s32 @p2 $0x1082  }
0x22: {  	[simem:s7], [sflag:s8] =	dma.local @!p0 [hbm:s6], $0xF7A  }
0x23: {  	s9 =	sor.u32 $0xD0000000, s2;
	s6 =	simm.s32 $0x108;
	_ =	swait.ge @!p0 [sflag:s8], $0x0  }
0x24: {  	s3 =	sadd.s32 $0x88, s3;
	s6 =	simm.s32 @!p1 $0x1082;
	[sflag:s4] =	ssyncset.s32 $0xFFFFF086  }
0x25: {  	[simem:s6], [sflag:s4] =	dma.local [hbm:s3], $0xF7A  }
0x26: {  	[smem:$0x3F9D] =	sst s1;
	(tag) =	ssettag s2;
	_ =	strace s9  }
0x27: {  	s1 =	sld [smem:$0x3FAD]  }
0x28: {  	s2 =	sld [smem:$0x3FAE]  }
0x29: {  	s4 =	sld [smem:$0x3FB0]  }
0x2a: {  	p0 =	seq.s32 s5, $0x0;
	s5 =	sld [smem:$0x3FB1]  }
0x2b: {  	s6 =	sld [smem:$0x3FB2]  }
0x2c: {  	s7 =	sld [smem:$0x3FB3]  }
0x2d: {  	s3 =	simm.s32 $0x108;
	s8 =	sld [smem:$0x3FB4]  }
0x2e: {  	s3 =	simm.s32 @!p0 $0x1082;
	s9 =	sld [smem:$0x3FB5]  }
0x2f: {  	lr =	sadd.s32 s0, s3;
	s0 =	sld [smem:$0x3FAC]  }
0x30: {  	s3 =	sld [smem:$0x3FAF]  }
0x31: {  	[smem:$0x3FB8] =	sst s10  }
0x32: {  	s10 =	sld [smem:$0x3FB6];
	_ =	sdelay $0x3  }
0x33: {  	p0 =	seq.s32 s10, $0x1;
	s10 =	sld [smem:$0x3FB8];
	_ =	sdelay $0x3  }
0x34: {  	[smem:$0x3FB8] =	sst s10  }
0x35: {  	s10 =	sld [smem:$0x3FB7];
	_ =	sdelay $0x3  }
0x36: {  	p1 =	seq.s32 s10, $0x1;
	s10 =	sld [smem:$0x3FB8];
	_ =	sdelay $0x3  }
0x37: {  	[smem:$0x3FB8] =	sst s10  }
0x38: {  	s10 =	sld [smem:$0x3FB9]  }
0x39: {  	_ = 	snop;
	(pc) =	sbr.ind lr, $3  }
0x3a: {  	_ = 	snop  }
0x3b: {  	_ = 	snop  }
0x3c: {  	p2 =	seq.s32 s10, $0x1;
	s10 =	sld [smem:$0x3FB8]  }
0x3d: {  	_ =	shalt  }
0x3e: {  	_ =	shalt  }
0x3f: {  	_ =	shalt  }
0x40: {  	_ =	shalt  }
0x41: {  	_ =	shalt  }
0x42: {  	_ =	shalt  }
0x43: {  	_ =	shalt  }
0x44: {  	_ =	shalt  }
0x45: {  	_ =	shalt  }
0x46: {  	_ =	shalt  }
0x47: {  	_ =	shalt  }
0x48: {  	_ =	shalt  }
0x49: {  	_ =	shalt  }
0x4a: {  	_ =	shalt  }
0x4b: {  	_ =	shalt  }
0x4c: {  	_ =	shalt  }
0x4d: {  	_ =	shalt  }
0x4e: {  	_ =	shalt  }
0x4f: {  	_ =	shalt  }
0x50: {  	_ =	shalt  }
0x51: {  	_ =	shalt  }
0x52: {  	_ =	shalt  }
0x53: {  	_ =	shalt  }
0x54: {  	_ =	shalt  }
0x55: {  	_ =	shalt  }
0x56: {  	_ =	shalt  }
0x57: {  	_ =	shalt  }
0x58: {  	_ =	shalt  }
0x59: {  	_ =	shalt  }
0x5a: {  	_ =	shalt  }
0x5b: {  	_ =	shalt  }
0x5c: {  	_ =	shalt  }
0x5d: {  	_ =	shalt  }
0x5e: {  	_ =	shalt  }
0x5f: {  	_ =	shalt  }
0x60: {  	_ =	shalt  }
0x61: {  	_ =	shalt  }
0x62: {  	_ =	shalt  }
0x63: {  	_ =	shalt  }
0x64: {  	_ =	shalt  }
0x65: {  	_ =	shalt  }
0x66: {  	_ =	shalt  }
0x67: {  	_ =	shalt  }
0x68: {  	_ =	shalt  }
0x69: {  	_ =	shalt  }
0x6a: {  	_ =	shalt  }
0x6b: {  	_ =	shalt  }
0x6c: {  	_ =	shalt  }
0x6d: {  	_ =	shalt  }
0x6e: {  	_ =	shalt  }
0x6f: {  	_ =	shalt  }
0x70: {  	_ =	shalt  }
0x71: {  	_ =	shalt  }
0x72: {  	_ =	shalt  }
0x73: {  	_ =	shalt  }
0x74: {  	_ =	shalt  }
0x75: {  	_ =	shalt  }
0x76: {  	_ =	shalt  }
0x77: {  	_ =	shalt  }
0x78: {  	_ =	shalt  }
0x79: {  	_ =	shalt  }
0x7a: {  	_ =	shalt  }
0x7b: {  	_ =	shalt  }
0x7c: {  	_ =	shalt  }
0x7d: {  	_ =	shalt  }
0x7e: {  	_ =	shalt  }
0x7f: {  	_ =	shalt  }
0x80: {  	_ =	shalt  }
0x81: {  	_ =	shalt  }
0x82: {  	_ =	shalt  }
0x83: {  	_ =	shalt  }
0x84: {  	_ =	shalt  }
0x85: {  	_ =	shalt  }
0x86: {  	_ =	shalt  }
0x87: {  	_ =	shalt  }
.Lfunc_end0:
.L_simem_size_0:
called_computation.1_lowered:
.L_overlay_start_0:
0x88: {  	s2 =	sld [smem:$0x3FD9]  }
0x89: {  	s3 =	sld [smem:$0x3FFE];
	_ =	sdelay $0x1  }
0x8a: {  	s1 =	srdreg.scid  }
0x8b: {  	s0 =	sand.u32 $0x1, s1  }
0x8c: {  	s17 =	sshll.u32 s0, $0xA;
	s2 =	sadd.s32 s3, s2  }
0x8d: {  	s2 =	sadd.s32 s2, s17  }
0x8e: {  	[smem:$0x3FC4] =	sst s2  }
0x8f: {  	_ = 	snop  }
0x90: {  	s2 =	sld [smem:$0x3FD0];
	(tm) =	ssettm $0x1  }
0x91: {  	s18 =	sld [smem:$0x3FFB];
	_ =	sdelay $0x3  }
0x92: {  	_ =	strace s18  }
0x93: {  	s3 =	sld [smem:$0x3FFC];
	_ =	sdelay $0x3  }
0x94: {  	_ =	strace s3  }
0x95: {  	s3 =	sld [smem:$0x3FFD];
	_ =	sdelay $0x3  }
0x96: {  	_ =	strace s3  }
0x97: {  	_ =	strace $0x8FFFFFFF  }
0x98: {  	s19 =	sld [smem:$0x3FDB];
	_ =	sdelay $0x1  }
0x99: {  	s4 =	simm.s32 $_scs_section_size  }
0x9a: {  	s5 =	simm.s32 $_size__tile_overlayer_lowered;
	s6 =	simm.s32 $_tile_overlayer_lowered  }
0x9b: {  	s22 =	simm.s32 $0x1BFF;
	s21 =	sshll.u32 s6, $0x1;
	s3 =	sadd.s32 s4, s19  }
0x9c: {  	s7 =	simm.s32 $0x0;
	s20 =	sshll.u32 s5, $0x1;
	s5 =	sadd.s32 s21, s3  }
0x9d: {  	[timem:s7], [sflag:s22] =	dma.local [hbm:s5], s20  }
0x9e: {  	_ =	swait.ge [sflag:s22], s20  }
0x9f: {  	s4 =	ssub.s32 $0x0, s20;
	[sflag:s22] =	ssyncset.done $0x0  }
0xa0: {  	[sflag:s22] =	ssyncadd.s32 s4;
	_ =	sdelay $0x1  }
0xa1: {  	s23 =	simm.s32 $0x1B8B  }
0xa2: {  	_ =	swait.ge [sflag:s23], $0x1  }
0xa3: {  	[sflag:s23] =	ssyncset.done $0x0  }
0xa4: {  	s25 =	simm.s32 $0x1B8E;
	s24 =	sld [smem:$0x3FFE];
	[sflag:s23] =	ssyncadd.s32 $0xFFFFFFFF  }
0xa5: {  	s26 =	simm.s32 $execute0_lowered;
	[smem:$0x3FD2] =	sst s25  }
0xa6: {  	s5 =	sshll.u32 s26, $0x1;
	_ =	strace $0x80000049;
	[dreg:$0x1] =	wrdreg $0xFFFFFFFF  }
0xa7: {  	s28 =	simm.s32 $_size_execute0_lowered;
	s3 =	sadd.s32 s3, s5;
	[dreg:$0x0] =	wrdreg $0x0  }
0xa8: {  	s5 =	sshll.u32 s28, $0x1;
	[dreg:$0x2] =	wrdreg s3  }
0xa9: {  	[dreg:$0x3] =	wrdreg s5  }
0xaa: {  	[dreg:$0x4] =	wrdreg $0xC0  }
0xab: {  	_ =	task [dreg:s7], $0x5FFFF  }
0xac: {  	[dreg:$0x1] =	wrdreg $0xFFFFFFFF  }
0xad: {  	[dreg:$0x0] =	wrdreg $0x60  }
0xae: {  	[dreg:$0x2] =	wrdreg s2  }
0xaf: {  	[dreg:$0x3] =	wrdreg s24  }
0xb0: {  	[dreg:$0x4] =	wrdreg $0xAC000  }
0xb1: {  	[dreg:$0x5] =	wrdreg $0x9  }
0xb2: {  	_ =	task.clear_ibuf [dreg:s7], $0x6FFFF;
	_ =	strace $0x90000049  }
0xb3: {  	s29 =	simm.s32 $0x9;
	_ =	strace $0x8000004B  }
0xb4: {  	_ =	swait.ge [sflag:s29], $0x1  }
0xb5: {  	[sflag:s29] =	ssyncadd.s32 $0xFFFFFFFF  }
0xb6: {  	_ =	strace $0x9000004B  }
0xb7: {  	_ =	sfence  }
0xb8: {  	s30 =	sld [smem:$0x0];
	_ =	sdelay $0x2  }
0xb9: {  	s31 =	sshll.u32 s1, $0xD;
	s1 =	sshrl.u32 s1, $0x2  }
0xba: {  	s3 =	sand.u32 $0x4000, s31;
	s1 =	sadd.s32 s1, s30  }
0xbb: {  	s0 =	sor.u32 s3, s0;
	s1 =	sshll.u32 s1, $0x11  }
0xbc: {  	s0 =	sor.u32 s1, s0  }
0xbd: {  	s0 =	sadd.s32 $0x8F2B, s0  }
0xbe: {  	[sflag:s0] =	ssyncadd.remote.s32 $0x1  }
0xbf: {  	_ =	sfence.sel $0xFFFF  }
0xc0: {  	[dreg:$0x0] =	wrdreg $0xFFFFFFFF;
	(pc) =	sbr.abs _section_cstart, $3  }
0xc1: {  	[dreg:$0x1] =	wrdreg $0xFFFFFFFF  }
0xc2: {  	_ =	task.clear_ibuf [dreg:s7], $0x2FFFF;
	_ =	strace $0x9FFFFFFF  }
0xc3: {  	(tm) =	ssettm $0x7FFFFFFF  }
tec
execute0_lowered:
.L_overlay_start_1:
0x0: {  	(tag) =	ssettag $0x1  }
0x1: {  	s1 =	rddreg [dreg:$0x0]  }
0x2: {  	s0 =	srdreg.scid;
	s5 =	rddreg [dreg:$0x1]  }
0x3: {  	s11 =	stileid.u32;
	s3 =	rddreg [dreg:$0x2];
	s12 =	simm.s32 $0x80  }
0x4: {  	s14 =	simm.s32 $0x2C00;
	s15 =	simm.s32 $0x2800;
	s16 =	simm.s32 $0x1  }
0x5: {  	s17 =	simm.s32 $0x6C00;
	s18 =	simm.s32 $0x2;
	s28 =	simm.s32 $0x2B00  }
0x6: {  	s29 =	simm.s32 $0x2B80;
	s30 =	simm.s32 $0x0;
	s0 =	sand.u32 $0x1, s0  }
0x7: {  	s2 =	sshll.u32 s11, $0x1;
	s4 =	sshrl.u32 s11, $0x2;
	s24 =	smul.u32 $0x2780, s11  }
0x8: {  	s8 =	smul.u32 $0x4E200, s11;
	s25 =	sshll.u32 s11, $0x6;
	s11 =	simm.s32 $0x5  }
0x9: {  	s2 =	sor.u32 s0, s2;
	s6 =	smul.u32 $0x14000, s4;
	s4 =	simm.s32 $0x0  }
0xa: {  	s21 =	smul.u32 $0x27800, s0;
	s0 =	ssub.s32 $0x2, s0;
	s19 =	sshll.u32 s2, $0x7  }
0xb: {  	s2 =	smul.u32 $0x500, s2;
	[smem:$0x7FF] =	sst s4;
	s9 =	sadd.s32 s24, s5  }
0xc: {  	s22 =	sshrl.u32 s0, $0x1;
	s23 =	sshrl.u32 s8, $0x2;
	s7 =	sand.u32 $0x380, s19  }
0xd: {  	_ =	strace $0x8000004A;
	s10 =	sadd.s32 s21, s5;
	s0 =	ssub.s32 s0, s22  }
0xe: {  	s26 =	sadd.s32 s23, s3;
	s19 =	simm.s32 $0x3;
	s21 =	simm.s32 $0x4  }
0xf: {  	s22 =	simm.s32 $0x2900;
	s23 =	simm.s32 $0x2980;
	s6 =	sor.u32 s6, s7  }
.Ltmp0:
0x10: {  	s2 =	sadd.s32 s2, s5;
	s31 =	sadd.s32 $0x8AE00, s10;
	(pc) =	sbr.rel .LBB2_1-.Ltmp0, $4  }
0x11: {  	s10 =	sshrl.u32 s26, $0x3;
	s26 =	simm.s32 $0x2A80;
	s6 =	sshrl.u32 s6, $0x3  }
0x12: {  	s8 =	sadd.s32 $0xB400, s2;
	s24 =	sadd.s32 s24, s31;
	s20 =	sadd.s32 s6, s5  }
0x13: {  	s5 =	sadd.s32 $0x63600, s9;
	s6 =	sor.u32 $0x1C05, s25;
	s9 =	smax.u32 s0, $0x1  }
0x14: {  	s25 =	simm.s32 $0x2A00;
	s7 =	sadd.s32 $0x1400, s20;
	s20 =	simm.s32 $0x2880  }
.LBB2_4:
0x15: {  	[spmem:s3] =	stream.indirect.scatter.add.f32 [tilespmem:s17], [sflag:$0x4], $0x80, s29, s12, $0xb8;
	[tilespmem:$0x1E480] =	vst v63  }
0x16: {  	_ =	swait.ge [sflag:s21], $0x4000  }
0x17: {  	s30 =	sadd.s32 $0x1, s30;
	[sflag:s21] =	ssyncset.done $0x0  }
0x18: {  	p0 =	sne.s32 s30, s9;
	[sflag:s21] =	ssyncadd.s32 $0xFFFFC000  }
.Ltmp1:
0x19: {  	[bflag:$0x0] =	sbarrier.arrive $0xFFFF;
	(pc) =	sbr.rel @!p0 .LBB2_5-.Ltmp1, $4  }
0x1a: {  	[hbm:s24], [sflag:s6] =	dma.local [spmem:s10], $0x2710  }
0x1b: {  	_ =	swait.ge [sflag:s11], $0x2710  }
0x1c: {  	[sflag:s11] =	ssyncset.done $0x0  }
0x1d: {  	[sflag:s11] =	ssyncadd.s32 $0xFFFFD8F0  }
.LBB2_1:
0x1e: {  	[spmem:s10], [sflag:s6] =	dma.local [hbm:s5], $0x2710  }
0x1f: {  	_ =	swait.ge [sflag:s11], $0x2710  }
0x20: {  	[sflag:s11] =	ssyncset.done $0x0  }
0x21: {  	s0 =	simm.s32 $0x400;
	[sflag:s11] =	ssyncadd.s32 $0xFFFFD8F0  }
0x22: {  	[tilespmem:s4], [sflag:$0x5] =	stream.strided.gather [hbm4b:s7+s12], $0x2800, s0, s12, $0x38;
	[tilespmem:$0x1E480] =	vst v63  }
0x23: {  	_ =	swait.ge [sflag:s11], $0x2800  }
0x24: {  	[sflag:s11] =	ssyncset.done $0x0  }
0x25: {  	[sflag:s11] =	ssyncadd.s32 $0xFFFFD800  }
0x26: {  	s31 =	simm.s32 $0x0;
	s2 =	simm.s32 $0x0;
	[bflag:$0x0] =	sbarrier.arrive $0xFFFF  }
0x27: {  	[tilespmem:s14], [sflag:$0x1] =	stream.indirect.gather [hbm4b:s1+s12], $0x80, s4, s12, $0xb8;
	[tilespmem:$0x1E480] =	vst v63  }
.LBB2_2:
0x28: {  	p0 =	seq.s32 s31, $0x0  }
0x29: {  	s0 =	simm.s32 @!p0 $0x4  }
0x2a: {  	_ =	swait.ge @!p0 [sflag:s0], $0x4000  }
0x2b: {  	[sflag:s0] =	ssyncset.done @!p0 $0x0  }
0x2c: {  	s13 =	sadd.s32 s2, s8;
	[sflag:s0] =	ssyncadd.s32 @!p0 $0xFFFFC000  }
0x2d: {  	[tilespmem:s15], [sflag:$0x5] =	stream.linear.gather [hbm4b:s13+s4], $0x400, $0x38;
	[tilespmem:$0x1E480] =	vst v63  }
0x2e: {  	_ =	swait.ge [sflag:s11], $0x400  }
0x2f: {  	[sflag:s11] =	ssyncset.done $0x0  }
0x30: {  	[sflag:s11] =	ssyncadd.s32 $0xFFFFFC00  }
0x31: {  	_ =	swait.ge [sflag:s16], $0x4000  }
0x32: {  	s0 =	sshra.s32 s31, $0x2;
	[sflag:s16] =	ssyncset.done $0x0  }
0x33: {  	s13 =	sadd.s32 $0x80, s0;
	[sflag:s16] =	ssyncadd.s32 $0xFFFFC000  }
0x34: {  	[tilespmem:s17], [sflag:$0x2] =	stream.indirect.gather [hbm4b:s1+s12], $0x80, s13, s12, $0xb8;
	[tilespmem:$0x1E480] =	vst v63  }
0x35: {  	_ = 	snop  }
0x36: {  	[spmem:s3] =	stream.indirect.scatter.add.f32 [tilespmem:s14], [sflag:$0x3], $0x80, s15, s12, $0xb8;
	[tilespmem:$0x1E480] =	vst v63  }
0x37: {  	_ =	swait.ge [sflag:s18], $0x4000  }
0x38: {  	[sflag:s18] =	ssyncset.done $0x0  }
0x39: {  	[sflag:s18] =	ssyncadd.s32 $0xFFFFC000  }
0x3a: {  	_ =	swait.ge [sflag:s19], $0x4000  }
0x3b: {  	[sflag:s19] =	ssyncset.done $0x0  }
0x3c: {  	s13 =	sadd.s32 $0x100, s0;
	[sflag:s19] =	ssyncadd.s32 $0xFFFFC000  }
0x3d: {  	[tilespmem:s14], [sflag:$0x1] =	stream.indirect.gather [hbm4b:s1+s12], $0x80, s13, s12, $0xb8;
	[tilespmem:$0x1E480] =	vst v63  }
0x3e: {  	_ = 	snop  }
0x3f: {  	[spmem:s3] =	stream.indirect.scatter.add.f32 [tilespmem:s17], [sflag:$0x4], $0x80, s20, s12, $0xb8;
	[tilespmem:$0x1E480] =	vst v63  }
0x40: {  	_ =	swait.ge [sflag:s16], $0x4000  }
0x41: {  	[sflag:s16] =	ssyncset.done $0x0  }
0x42: {  	[sflag:s16] =	ssyncadd.s32 $0xFFFFC000  }
0x43: {  	_ =	swait.ge [sflag:s21], $0x4000  }
0x44: {  	[sflag:s21] =	ssyncset.done $0x0  }
0x45: {  	s13 =	sadd.s32 $0x180, s0;
	[sflag:s21] =	ssyncadd.s32 $0xFFFFC000  }
0x46: {  	[tilespmem:s17], [sflag:$0x2] =	stream.indirect.gather [hbm4b:s1+s12], $0x80, s13, s12, $0xb8;
	[tilespmem:$0x1E480] =	vst v63  }
0x47: {  	_ = 	snop  }
0x48: {  	[spmem:s3] =	stream.indirect.scatter.add.f32 [tilespmem:s14], [sflag:$0x3], $0x80, s22, s12, $0xb8;
	[tilespmem:$0x1E480] =	vst v63  }
0x49: {  	_ =	swait.ge [sflag:s18], $0x4000  }
0x4a: {  	[sflag:s18] =	ssyncset.done $0x0  }
0x4b: {  	[sflag:s18] =	ssyncadd.s32 $0xFFFFC000  }
0x4c: {  	_ =	swait.ge [sflag:s19], $0x4000  }
0x4d: {  	[sflag:s19] =	ssyncset.done $0x0  }
0x4e: {  	s13 =	sadd.s32 $0x200, s0;
	[sflag:s19] =	ssyncadd.s32 $0xFFFFC000  }
0x4f: {  	[tilespmem:s14], [sflag:$0x1] =	stream.indirect.gather [hbm4b:s1+s12], $0x80, s13, s12, $0xb8;
	[tilespmem:$0x1E480] =	vst v63  }
0x50: {  	_ = 	snop  }
0x51: {  	[spmem:s3] =	stream.indirect.scatter.add.f32 [tilespmem:s17], [sflag:$0x4], $0x80, s23, s12, $0xb8;
	[tilespmem:$0x1E480] =	vst v63  }
0x52: {  	_ =	swait.ge [sflag:s16], $0x4000  }
0x53: {  	[sflag:s16] =	ssyncset.done $0x0  }
0x54: {  	[sflag:s16] =	ssyncadd.s32 $0xFFFFC000  }
0x55: {  	_ =	swait.ge [sflag:s21], $0x4000  }
0x56: {  	[sflag:s21] =	ssyncset.done $0x0  }
0x57: {  	s13 =	sadd.s32 $0x280, s0;
	[sflag:s21] =	ssyncadd.s32 $0xFFFFC000  }
0x58: {  	[tilespmem:s17], [sflag:$0x2] =	stream.indirect.gather [hbm4b:s1+s12], $0x80, s13, s12, $0xb8;
	[tilespmem:$0x1E480] =	vst v63  }
0x59: {  	_ = 	snop  }
0x5a: {  	[spmem:s3] =	stream.indirect.scatter.add.f32 [tilespmem:s14], [sflag:$0x3], $0x80, s25, s12, $0xb8;
	[tilespmem:$0x1E480] =	vst v63  }
0x5b: {  	_ =	swait.ge [sflag:s18], $0x4000  }
0x5c: {  	[sflag:s18] =	ssyncset.done $0x0  }
0x5d: {  	[sflag:s18] =	ssyncadd.s32 $0xFFFFC000  }
0x5e: {  	_ =	swait.ge [sflag:s19], $0x4000  }
0x5f: {  	[sflag:s19] =	ssyncset.done $0x0  }
0x60: {  	s13 =	sadd.s32 $0x300, s0;
	[sflag:s19] =	ssyncadd.s32 $0xFFFFC000  }
0x61: {  	[tilespmem:s14], [sflag:$0x1] =	stream.indirect.gather [hbm4b:s1+s12], $0x80, s13, s12, $0xb8;
	[tilespmem:$0x1E480] =	vst v63  }
0x62: {  	_ = 	snop  }
0x63: {  	[spmem:s3] =	stream.indirect.scatter.add.f32 [tilespmem:s17], [sflag:$0x4], $0x80, s26, s12, $0xb8;
	[tilespmem:$0x1E480] =	vst v63  }
0x64: {  	_ =	swait.ge [sflag:s16], $0x4000  }
0x65: {  	[sflag:s16] =	ssyncset.done $0x0  }
0x66: {  	[sflag:s16] =	ssyncadd.s32 $0xFFFFC000  }
0x67: {  	_ =	swait.ge [sflag:s21], $0x4000  }
0x68: {  	[sflag:s21] =	ssyncset.done $0x0  }
0x69: {  	s13 =	sadd.s32 $0x380, s0;
	[sflag:s21] =	ssyncadd.s32 $0xFFFFC000  }
0x6a: {  	[tilespmem:s17], [sflag:$0x2] =	stream.indirect.gather [hbm4b:s1+s12], $0x80, s13, s12, $0xb8;
	[tilespmem:$0x1E480] =	vst v63  }
0x6b: {  	_ = 	snop  }
0x6c: {  	[spmem:s3] =	stream.indirect.scatter.add.f32 [tilespmem:s14], [sflag:$0x3], $0x80, s28, s12, $0xb8;
	[tilespmem:$0x1E480] =	vst v63  }
0x6d: {  	p0 =	seq.s32 s31, $0x9000;
	_ =	swait.ge [sflag:s18], $0x4000  }
.Ltmp2:
0x6e: {  	[sflag:s18] =	ssyncset.done $0x0;
	(pc) =	sbr.rel @p0 .LBB2_4-.Ltmp2, $4  }
0x6f: {  	[sflag:s18] =	ssyncadd.s32 $0xFFFFC000  }
0x70: {  	_ =	swait.ge [sflag:s19], $0x4000  }
0x71: {  	[sflag:s19] =	ssyncset.done $0x0  }
0x72: {  	[sflag:s19] =	ssyncadd.s32 $0xFFFFC000  }
.Ltmp3:
0x73: {  	(pc) =	sbr.rel .LBB2_2-.Ltmp3, $4  }
0x74: {  	s0 =	sadd.s32 $0x400, s0  }
0x75: {  	[tilespmem:s14], [sflag:$0x1] =	stream.indirect.gather [hbm4b:s1+s12], $0x80, s0, s12, $0xb8;
	[tilespmem:$0x1E480] =	vst v63  }
0x76: {  	s2 =	sadd.s32 $0x80, s2;
	s31 =	sadd.s32 $0x1000, s31  }
0x77: {  	[spmem:s3] =	stream.indirect.scatter.add.f32 [tilespmem:s17], [sflag:$0x4], $0x80, s29, s12, $0xb8;
	[tilespmem:$0x1E480] =	vst v63  }
.LBB2_5:
0x78: {  	_ =	sfence.sel $0x180000  }
0x79: {  	[bflag:$0x0] =	sbarrier.arrive $0xFFFF  }
0x7a: {  	_ =	strace $0x9000004A  }
0x7b: {  	s0 =	stileid.u32;
	[bflag:$0x2] =	sbarrier.arrive $0xFFFF  }
0x7c: {  	p0 =	sne.s32 s0, $0x0;
	s0 =	rddreg [dreg:$0x3]  }
0x7d: {  	s0 =	sadd.s32 @!p0 $0x100000, s0  }
0x7e: {  	[sflag:s0] =	ssyncadd.tile.s32 @!p0 $0x1;
	_ =	shalt  }
.Lfunc_end2:
_tile_overlayer_lowered:
.L_overlay_start_2:
0x7f: {  	(tag) =	ssettag $0x2  }
0x80: {  	s0 =	rddreg [dreg:$0x0];
	s2 =	stileid.u32  }
0x81: {  	s1 =	rddreg [dreg:$0x1];
	p0 =	sne.s32 s2, $0x0  }
0x82: {  	s3 =	rddreg [dreg:$0x2];
	[bflag:$0x3] =	sbarrier.arrive $0xFFFF;
	s2 =	simm.s32 @!p0 $0x1C05  }
0x83: {  	[timem:s3], [sflag:s2] =	dma.local @!p0 [hbm:s0], s1  }
0x84: {  	s0 =	simm.s32 @!p0 $0x5  }
0x85: {  	_ =	swait.ge @!p0 [sflag:s0], s1  }
0x86: {  	s1 =	ssub.s32 @!p0 $0x0, s1;
	[sflag:s0] =	ssyncset.done @!p0 $0x0  }
0x87: {  	[sflag:s0] =	ssyncadd.s32 @!p0 s1  }
0x88: {  	[bflag:$0x3] =	sbarrier.arrive $0xFFFF  }
0x89: {  	_ =	shalt  }

</sc_bundles>
